<compile_context>
chip_gen: v7x
topology: tpu7x:2x2x1
jax: 0.10.2.dev20260603
libtpu: 0.0.44.dev20260713+nightly
codegen_flags: <defaults>
</compile_context>

<pallas_src>
import jax
import jax.numpy as jnp
from jax import lax
from jax.experimental import pallas as pl
from jax.experimental.pallas import tpu as pltpu
from jax.experimental.pallas import tpu_sc as plsc

N_NODE = 10000
N_EDGE = 320000
D = 128
ATTN = 16
B = 512
NRV = 23

NC = 2
NS = 16
NW = NC * NS
EPW = N_EDGE // NW
CHUNK = 128
NFULL = EPW // CHUNK
TAIL = EPW - NFULL * CHUNK
N_PAD = 10240
RPT = N_PAD // NS


def _pre_body(hid, rela, qrel, ws, wr, wqr, bqr, an_out, ar_out, aq_out):
    an_out[...] = jnp.dot(hid[...], ws[...].T, preferred_element_type=jnp.float32)
    ar_out[...] = jnp.dot(rela[...], wr[...].T, preferred_element_type=jnp.float32)
    qproj = jnp.dot(rela[...], wqr[...].T, preferred_element_type=jnp.float32)
    cols = lax.broadcasted_iota(jnp.int32, (B, NRV), 1)
    oh = (cols == qrel[...]).astype(jnp.float32)
    aq_out[...] = (
        jnp.dot(oh, qproj, preferred_element_type=jnp.float32) + bqr[...]
    )


def _pre_tables(hidden, rela_embed, q_rel, Ws, Wr, Wqr, b_qr):
    return pl.pallas_call(
        _pre_body,
        out_shape=(
            jax.ShapeDtypeStruct((N_NODE, ATTN), jnp.float32),
            jax.ShapeDtypeStruct((NRV, ATTN), jnp.float32),
            jax.ShapeDtypeStruct((B, ATTN), jnp.float32),
        ),
    )(hidden, rela_embed, q_rel.reshape(B, 1), Ws, Wr, Wqr,
      b_qr.reshape(1, ATTN))


def _edge_block(n, off, sub_hbm, rel_hbm, obj_hbm, ridx_hbm, hidden_hbm,
                an_hbm, acc_sh, sub_v, rel_v, obj_v, ridx_v, an_v, hs_v,
                ar_f, aq_f, rela_f, w_vec, bal, sem):
    pltpu.sync_copy(sub_hbm.at[pl.ds(off, n)], sub_v)
    pltpu.sync_copy(rel_hbm.at[pl.ds(off, n)], rel_v)
    pltpu.sync_copy(obj_hbm.at[pl.ds(off, n)], obj_v)
    pltpu.sync_copy(ridx_hbm.at[pl.ds(off, n)], ridx_v)
    cp_an = pltpu.async_copy(an_hbm.at[sub_v], an_v, sem)
    cp_hs = pltpu.async_copy(hidden_hbm.at[sub_v], hs_v, sem)
    cp_an.wait()
    cp_hs.wait()

    lane = lax.iota(jnp.int32, 16)

    def edge_body(e, _):
        e_bc = jnp.full((16,), e, jnp.int32)
        rel_bc = plsc.load_gather(rel_v, [e_bc])
        rid_bc = plsc.load_gather(ridx_v, [e_bc])
        a1 = an_v.at[e][...]
        a2 = plsc.load_gather(ar_f, [rel_bc * 16 + lane])
        a3 = plsc.load_gather(aq_f, [rid_bc * 16 + lane])
        attn = jnp.maximum(a1 + a2 + a3, 0.0)
        s = jnp.sum(attn * w_vec)
        alpha = 1.0 / (1.0 + jnp.exp(-(bal + jnp.full((16,), s))))
        hrow = hs_v.at[e]
        rel_base = rel_bc * 128 + lane
        for j in range(D // 16):
            sl = pl.ds(j * 16, 16)
            h = hrow[sl]
            r = plsc.load_gather(rela_f, [rel_base + j * 16])
            hrow[sl] = alpha * (h + r)
        return 0

    lax.fori_loop(0, n, edge_body, 0)
    pltpu.sync_copy(hs_v, acc_sh.at[obj_v], add=True)


def _sc_body(sub_hbm, rel_hbm, obj_hbm, ridx_hbm, hidden_hbm, an_hbm,
             ar_hbm, aq_hbm, rela_hbm, wal_hbm, bal_hbm, zeros_hbm,
             out_hbm,
             acc_sh, sub_v, rel_v, obj_v, ridx_v, an_v, hs_v,
             sub_t, rel_t, obj_t, ridx_t, an_t, hs_t,
             ar_f, aq_f, rela_f, wal_v, bal_v, sem):
    cid = lax.axis_index("c")
    sid = lax.axis_index("s")
    wid = cid * NS + sid

    pltpu.sync_copy(zeros_hbm.at[pl.ds(sid * RPT, RPT)],
                    acc_sh.at[pl.ds(sid * RPT, RPT)])
    pltpu.sync_copy(ar_hbm, ar_f)
    pltpu.sync_copy(aq_hbm, aq_f)
    pltpu.sync_copy(rela_hbm, rela_f)
    pltpu.sync_copy(wal_hbm, wal_v)
    pltpu.sync_copy(bal_hbm, bal_v)
    plsc.subcore_barrier()

    w_vec = wal_v[...]
    bal = bal_v[...]
    base_e = wid * EPW

    def chunk_body(i, _):
        _edge_block(CHUNK, base_e + i * CHUNK, sub_hbm, rel_hbm, obj_hbm,
                    ridx_hbm, hidden_hbm, an_hbm, acc_sh, sub_v, rel_v,
                    obj_v, ridx_v, an_v, hs_v, ar_f, aq_f, rela_f, w_vec,
                    bal, sem)
        return 0

    lax.fori_loop(0, NFULL, chunk_body, 0)
    if TAIL:
        _edge_block(TAIL, base_e + NFULL * CHUNK, sub_hbm, rel_hbm,
                    obj_hbm, ridx_hbm, hidden_hbm, an_hbm, acc_sh, sub_t,
                    rel_t, obj_t, ridx_t, an_t, hs_t, ar_f, aq_f, rela_f,
                    w_vec, bal, sem)

    plsc.subcore_barrier()
    pltpu.sync_copy(acc_sh.at[pl.ds(sid * RPT, RPT)],
                    out_hbm.at[pl.ds(cid * N_PAD + sid * RPT, RPT)])


def _sc_edges_fn():
  return pl.kernel(
    _sc_body,
    out_type=jax.ShapeDtypeStruct((NC * N_PAD, D), jnp.float32),
    compiler_params=pltpu.CompilerParams(needs_layout_passes=False,
                                         use_tc_tiling_on_sc=False),
    mesh=plsc.VectorSubcoreMesh(core_axis_name="c", subcore_axis_name="s",
                                num_cores=NC, num_subcores=NS),
    scratch_types=[
        pltpu.VMEM_SHARED((N_PAD, D), jnp.float32),
        pltpu.VMEM((CHUNK,), jnp.int32),
        pltpu.VMEM((CHUNK,), jnp.int32),
        pltpu.VMEM((CHUNK,), jnp.int32),
        pltpu.VMEM((CHUNK,), jnp.int32),
        pltpu.VMEM((CHUNK, ATTN), jnp.float32),
        pltpu.VMEM((CHUNK, D), jnp.float32),
        pltpu.VMEM((TAIL,), jnp.int32),
        pltpu.VMEM((TAIL,), jnp.int32),
        pltpu.VMEM((TAIL,), jnp.int32),
        pltpu.VMEM((TAIL,), jnp.int32),
        pltpu.VMEM((TAIL, ATTN), jnp.float32),
        pltpu.VMEM((TAIL, D), jnp.float32),
        pltpu.VMEM((NRV * ATTN,), jnp.float32),
        pltpu.VMEM((B * ATTN,), jnp.float32),
        pltpu.VMEM((NRV * D,), jnp.float32),
        pltpu.VMEM((16,), jnp.float32),
        pltpu.VMEM((16,), jnp.float32),
        pltpu.SemaphoreType.DMA,
    ],
  )


def _post_body(p0, p1, wh, out):
    out[...] = jnp.dot(p0[...] + p1[...], wh[...].T,
                       preferred_element_type=jnp.float32)


def _post(partials, W_h):
    rows = 2000
    return pl.pallas_call(
        _post_body,
        grid=(N_NODE // rows,),
        in_specs=[
            pl.BlockSpec((rows, D), lambda i: (i, 0)),
            pl.BlockSpec((rows, D), lambda i: (i, 0)),
            pl.BlockSpec((D, D), lambda i: (0, 0)),
        ],
        out_specs=pl.BlockSpec((rows, D), lambda i: (i, 0)),
        out_shape=jax.ShapeDtypeStruct((N_NODE, D), jnp.float32),
    )(partials[:N_NODE], partials[N_PAD:N_PAD + N_NODE], W_h)


def kernel(q_sub, q_rel, hidden, edges, rela_embed, Ws_attn, Wr_attn,
           Wqr_attn, b_qr, w_alpha, b_alpha, W_h):
    del q_sub
    edges = edges.astype(jnp.int32)
    sub = edges[:, 4]
    rel = edges[:, 2]
    obj = edges[:, 5]
    ridx = edges[:, 0]
    a_node, a_rel, a_q = _pre_tables(
        hidden, rela_embed, q_rel.astype(jnp.int32), Ws_attn, Wr_attn,
        Wqr_attn, b_qr)
    wal = w_alpha.reshape(ATTN)
    bal = jnp.broadcast_to(b_alpha.reshape(1), (16,))
    zeros = jnp.zeros((N_PAD, D), jnp.float32)
    partials = _sc_edges_fn()(sub, rel, obj, ridx, hidden, a_node,
                              a_rel.reshape(-1), a_q.reshape(-1),
                              rela_embed.reshape(-1), wal, bal, zeros)
    return _post(partials, W_h)

# --- scband reference (transcript-rebuilt; emitter-appended) ---
"""Pipeline reference for scband-kucnet-trans-34840774705590 (READ-ONLY COPY).

The authoritative reference and input builder live on the scoring server;
editing this copy changes nothing except your own understanding.
"""

import jax, jax.numpy as jnp
import numpy as np

N_NODE = 10000      # subgraph node count
N_EDGE = 320000     # n_nodes * avg_degree (10000*32)
D = 128             # hidden_dim (in_dim == out_dim)
ATTN = 16           # attn_dim
B = 512             # number of queries in the batch
N_REL_VOCAB = 23    # 2*n_rel + 3 with n_rel=10


def setup_inputs(seed: int = 0) -> dict:
    key = jax.random.key(seed)
    ks = jax.random.split(key, 16)
    # query tensors
    q_sub = jax.random.randint(ks[0], (B,), 0, N_NODE, dtype=jnp.int64)
    q_rel = jax.random.randint(ks[1], (B,), 0, N_REL_VOCAB, dtype=jnp.int64)
    # node hidden states for the current layer
    hidden = jax.random.normal(ks[2], (N_NODE, D), dtype=jnp.float32)
    # edges: [batch_idx, head_ent, rel, tail_ent, sub_new_idx, obj_new_idx]
    col0 = jax.random.randint(ks[3], (N_EDGE, 1), 0, B, dtype=jnp.int64)
    col1 = jax.random.randint(ks[4], (N_EDGE, 1), 0, N_NODE, dtype=jnp.int64)
    col2 = jax.random.randint(ks[5], (N_EDGE, 1), 0, N_REL_VOCAB, dtype=jnp.int64)
    col3 = jax.random.randint(ks[6], (N_EDGE, 1), 0, N_NODE, dtype=jnp.int64)
    col4 = jax.random.randint(ks[7], (N_EDGE, 1), 0, N_NODE, dtype=jnp.int64)
    col5 = jax.random.randint(ks[8], (N_EDGE, 1), 0, N_NODE, dtype=jnp.int64)
    edges = jnp.concatenate([col0, col1, col2, col3, col4, col5], axis=1)
    # learned parameters (nn.Linear weights stored as [out, in], applied as x @ W.T)
    s = 1.0 / np.sqrt(D)
    rela_embed = jax.random.normal(ks[9], (N_REL_VOCAB, D), dtype=jnp.float32)
    Ws_attn = jax.random.uniform(ks[10], (ATTN, D), jnp.float32, -s, s)
    Wr_attn = jax.random.uniform(ks[11], (ATTN, D), jnp.float32, -s, s)
    Wqr_attn = jax.random.uniform(ks[12], (ATTN, D), jnp.float32, -s, s)
    b_qr = jax.random.uniform(ks[13], (ATTN,), jnp.float32, -s, s)
    w_alpha = jax.random.uniform(ks[14], (1, ATTN), jnp.float32, -s, s)
    b_alpha = jnp.zeros((1,), dtype=jnp.float32)
    W_h = jax.random.uniform(ks[15], (D, D), jnp.float32, -s, s)
    return {
        'q_sub': q_sub, 'q_rel': q_rel, 'hidden': hidden, 'edges': edges,
        'rela_embed': rela_embed, 'Ws_attn': Ws_attn, 'Wr_attn': Wr_attn,
        'Wqr_attn': Wqr_attn, 'b_qr': b_qr, 'w_alpha': w_alpha,
        'b_alpha': b_alpha, 'W_h': W_h,
    }


def reference(q_sub, q_rel, hidden, edges, rela_embed, Ws_attn, Wr_attn,
              Wqr_attn, b_qr, w_alpha, b_alpha, W_h):
    # GNNLayer.forward core path (id_layer == 0, no pruning branch):
    sub = edges[:, 4]
    rel = edges[:, 2]
    obj = edges[:, 5]
    r_idx = edges[:, 0]
    hs = hidden[sub]                           # gather node states     [E, D]
    hr = jnp.take(rela_embed, rel, axis=0)     # relation embedding     [E, D]
    h_qr = jnp.take(rela_embed, q_rel, axis=0)[r_idx]  # query relation [E, D]
    message = hs + hr
    attn_pre = (hs @ Ws_attn.T) + (hr @ Wr_attn.T) + (h_qr @ Wqr_attn.T + b_qr)
    attn = jax.nn.relu(attn_pre)
    alpha = jax.nn.sigmoid(attn @ w_alpha.T + b_alpha)  # [E, 1]
    message = alpha * message
    message_agg = jax.ops.segment_sum(message, obj, num_segments=N_NODE)
    hidden_new = message_agg @ W_h.T           # act = identity ('idd')
    return hidden_new

if __name__ == "__main__":
    import jax
    _d = setup_inputs()
    print(jax.jit(kernel)(*tuple(_d.values())))

</pallas_src>

<mosaic_0001>
#map = affine_map<(d0, d1) -> (0)>
#map1 = affine_map<(d0, d1) -> (0, 0)>
module attributes {stable_mosaic.version = 14 : i64} {
  func.func @_sc_body(%arg0: i32, %arg1: i32, %arg2: memref<320000xi32, #tpu.memory_space<hbm>>, %arg3: memref<320000xi32, #tpu.memory_space<hbm>>, %arg4: memref<320000xi32, #tpu.memory_space<hbm>>, %arg5: memref<320000xi32, #tpu.memory_space<hbm>>, %arg6: memref<10000x128xf32, #tpu.memory_space<hbm>>, %arg7: memref<10000x16xf32, #tpu.memory_space<hbm>>, %arg8: memref<368xf32, #tpu.memory_space<hbm>>, %arg9: memref<8192xf32, #tpu.memory_space<hbm>>, %arg10: memref<2944xf32, #tpu.memory_space<hbm>>, %arg11: memref<16xf32, #tpu.memory_space<hbm>>, %arg12: memref<16xf32, #tpu.memory_space<hbm>>, %arg13: memref<10240x128xf32, #tpu.memory_space<hbm>>, %arg14: memref<20480x128xf32, #tpu.memory_space<hbm>>, %arg15: memref<10240x128xf32, #tpu.memory_space<vmem_shared>>, %arg16: memref<128xi32, #tpu.memory_space<vmem>>, %arg17: memref<128xi32, #tpu.memory_space<vmem>>, %arg18: memref<128xi32, #tpu.memory_space<vmem>>, %arg19: memref<128xi32, #tpu.memory_space<vmem>>, %arg20: memref<128x16xf32, #tpu.memory_space<vmem>>, %arg21: memref<128x128xf32, #tpu.memory_space<vmem>>, %arg22: memref<16xi32, #tpu.memory_space<vmem>>, %arg23: memref<16xi32, #tpu.memory_space<vmem>>, %arg24: memref<16xi32, #tpu.memory_space<vmem>>, %arg25: memref<16xi32, #tpu.memory_space<vmem>>, %arg26: memref<16x16xf32, #tpu.memory_space<vmem>>, %arg27: memref<16x128xf32, #tpu.memory_space<vmem>>, %arg28: memref<368xf32, #tpu.memory_space<vmem>>, %arg29: memref<8192xf32, #tpu.memory_space<vmem>>, %arg30: memref<2944xf32, #tpu.memory_space<vmem>>, %arg31: memref<16xf32, #tpu.memory_space<vmem>>, %arg32: memref<16xf32, #tpu.memory_space<vmem>>, %arg33: memref<!tpu.dma_semaphore, #tpu.memory_space<semaphore_mem>>) attributes {dimension_semantics = [#tpu.dimension_semantics<core_parallel>, #tpu.dimension_semantics<subcore_parallel>], iteration_bounds = array<i64: 2, 16>, scalar_prefetch = 0 : i64, scratch_operands = 19 : i64, tpu.core_type = #tpu.core_type<sc_vector_subcore>, window_params = [{transform_indices = #map}, {transform_indices = #map}, {transform_indices = #map}, {transform_indices = #map}, {transform_indices = #map1}, {transform_indices = #map1}, {transform_indices = #map}, {transform_indices = #map}, {transform_indices = #map}, {transform_indices = #map}, {transform_indices = #map}, {transform_indices = #map1}, {transform_indices = #map1}]} {
    %mul3A = arith.constant 16 : i32
    %mul3A_0 = arith.muli %arg0, %mul3A : i32
    %add3A = arith.addi %mul3A_0, %arg1 : i32
    %mul3A_1 = arith.constant 640 : i32
    %mul3A_2 = arith.muli %arg1, %mul3A_1 : i32
    %mul3A_3 = arith.constant 640 : i32
    %mul3A_4 = arith.muli %arg1, %mul3A_3 : i32
    "tpu.region"() ({
      %run_scoped3A = tpu.sem_alloc : memref<!tpu.dma_semaphore, #tpu.memory_space<semaphore_mem>>
      %dma_start3A_43 = arith.constant 0 : i32
      %dma_start3A_44 = tpu.memref_slice %arg15[%mul3A_4, %dma_start3A_43] : memref<10240x128xf32, #tpu.memory_space<vmem_shared>> -> memref<640x128xf32, #tpu.memory_space<vmem_shared>>
      %dma_start3A_45 = arith.constant 0 : i32
      %dma_start3A_46 = tpu.memref_slice %arg13[%mul3A_2, %dma_start3A_45] : memref<10240x128xf32, #tpu.memory_space<hbm>> -> memref<640x128xf32, #tpu.memory_space<hbm>>
      tpu.enqueue_dma source(%dma_start3A_46 : memref<640x128xf32, #tpu.memory_space<hbm>>) target(%dma_start3A_44 : memref<640x128xf32, #tpu.memory_space<vmem_shared>>) target_semaphore(%run_scoped3A : memref<!tpu.dma_semaphore, #tpu.memory_space<semaphore_mem>>)
      %dma_wait3A_47 = arith.constant 0 : i32
      %dma_wait3A_48 = tpu.memref_slice %arg15[%mul3A_4, %dma_wait3A_47] : memref<10240x128xf32, #tpu.memory_space<vmem_shared>> -> memref<640x128xf32, #tpu.memory_space<vmem_shared>>
      %dma_wait3A_49 = arith.constant 0 : i32
      %dma_wait3A_50 = tpu.memref_slice %arg13[%mul3A_2, %dma_wait3A_49] : memref<10240x128xf32, #tpu.memory_space<hbm>> -> memref<640x128xf32, #tpu.memory_space<hbm>>
      tpu.wait_dma2 semaphore(%run_scoped3A : memref<!tpu.dma_semaphore, #tpu.memory_space<semaphore_mem>>) src(%dma_wait3A_50 : memref<640x128xf32, #tpu.memory_space<hbm>>) dst(%dma_wait3A_48 : memref<640x128xf32, #tpu.memory_space<vmem_shared>>)
      tpu.yield
    }) : () -> ()
    "tpu.region"() ({
      %run_scoped3A = tpu.sem_alloc : memref<!tpu.dma_semaphore, #tpu.memory_space<semaphore_mem>>
      tpu.enqueue_dma source(%arg8 : memref<368xf32, #tpu.memory_space<hbm>>) target(%arg28 : memref<368xf32, #tpu.memory_space<vmem>>) target_semaphore(%run_scoped3A : memref<!tpu.dma_semaphore, #tpu.memory_space<semaphore_mem>>)
      tpu.wait_dma2 semaphore(%run_scoped3A : memref<!tpu.dma_semaphore, #tpu.memory_space<semaphore_mem>>) src(%arg8 : memref<368xf32, #tpu.memory_space<hbm>>) dst(%arg28 : memref<368xf32, #tpu.memory_space<vmem>>)
      tpu.yield
    }) : () -> ()
    "tpu.region"() ({
      %run_scoped3A = tpu.sem_alloc : memref<!tpu.dma_semaphore, #tpu.memory_space<semaphore_mem>>
      tpu.enqueue_dma source(%arg9 : memref<8192xf32, #tpu.memory_space<hbm>>) target(%arg29 : memref<8192xf32, #tpu.memory_space<vmem>>) target_semaphore(%run_scoped3A : memref<!tpu.dma_semaphore, #tpu.memory_space<semaphore_mem>>)
      tpu.wait_dma2 semaphore(%run_scoped3A : memref<!tpu.dma_semaphore, #tpu.memory_space<semaphore_mem>>) src(%arg9 : memref<8192xf32, #tpu.memory_space<hbm>>) dst(%arg29 : memref<8192xf32, #tpu.memory_space<vmem>>)
      tpu.yield
    }) : () -> ()
    "tpu.region"() ({
      %run_scoped3A = tpu.sem_alloc : memref<!tpu.dma_semaphore, #tpu.memory_space<semaphore_mem>>
      tpu.enqueue_dma source(%arg10 : memref<2944xf32, #tpu.memory_space<hbm>>) target(%arg30 : memref<2944xf32, #tpu.memory_space<vmem>>) target_semaphore(%run_scoped3A : memref<!tpu.dma_semaphore, #tpu.memory_space<semaphore_mem>>)
      tpu.wait_dma2 semaphore(%run_scoped3A : memref<!tpu.dma_semaphore, #tpu.memory_space<semaphore_mem>>) src(%arg10 : memref<2944xf32, #tpu.memory_space<hbm>>) dst(%arg30 : memref<2944xf32, #tpu.memory_space<vmem>>)
      tpu.yield
    }) : () -> ()
    "tpu.region"() ({
      %run_scoped3A = tpu.sem_alloc : memref<!tpu.dma_semaphore, #tpu.memory_space<semaphore_mem>>
      tpu.enqueue_dma source(%arg11 : memref<16xf32, #tpu.memory_space<hbm>>) target(%arg31 : memref<16xf32, #tpu.memory_space<vmem>>) target_semaphore(%run_scoped3A : memref<!tpu.dma_semaphore, #tpu.memory_space<semaphore_mem>>)
      tpu.wait_dma2 semaphore(%run_scoped3A : memref<!tpu.dma_semaphore, #tpu.memory_space<semaphore_mem>>) src(%arg11 : memref<16xf32, #tpu.memory_space<hbm>>) dst(%arg31 : memref<16xf32, #tpu.memory_space<vmem>>)
      tpu.yield
    }) : () -> ()
    "tpu.region"() ({
      %run_scoped3A = tpu.sem_alloc : memref<!tpu.dma_semaphore, #tpu.memory_space<semaphore_mem>>
      tpu.enqueue_dma source(%arg12 : memref<16xf32, #tpu.memory_space<hbm>>) target(%arg32 : memref<16xf32, #tpu.memory_space<vmem>>) target_semaphore(%run_scoped3A : memref<!tpu.dma_semaphore, #tpu.memory_space<semaphore_mem>>)
      tpu.wait_dma2 semaphore(%run_scoped3A : memref<!tpu.dma_semaphore, #tpu.memory_space<semaphore_mem>>) src(%arg12 : memref<16xf32, #tpu.memory_space<hbm>>) dst(%arg32 : memref<16xf32, #tpu.memory_space<vmem>>)
      tpu.yield
    }) : () -> ()
    %barrier3A = arith.constant 0 : index
    tpu.barrier barrier_id(%barrier3A)
    %get3A = arith.constant 0 : index
    %get3A_5 = tpu.vector_load %arg31[%get3A] {strides = array<i32>} : memref<16xf32, #tpu.memory_space<vmem>>, vector<16xf32>,
    %get3A_6 = arith.constant 0 : index
    %get3A_7 = tpu.vector_load %arg32[%get3A_6] {strides = array<i32>} : memref<16xf32, #tpu.memory_space<vmem>>, vector<16xf32>,
    %mul3A_8 = arith.constant 10000 : i32
    %mul3A_9 = arith.muli %add3A, %mul3A_8 : i32
    %scan3A = arith.constant 0 : i32
    %scan3A_10 = arith.constant 0 : i32
    %scan3A_11 = arith.constant 78 : i32
    %scan3A_12 = arith.addi %scan3A_10, %scan3A_11 : i32
    %scan3A_13 = arith.constant 1 : i32
    %scan3A_14 = scf.for %scan3A_43 = %scan3A_10 to %scan3A_12 step %scan3A_13 iter_args(%scan3A_44 = %scan3A) -> (i32)  : i32 {
      %mul3A_45 = arith.constant 128 : i32
      %mul3A_46 = arith.muli %scan3A_43, %mul3A_45 : i32
      %add3A_47 = arith.addi %mul3A_9, %mul3A_46 : i32
      "tpu.region"() ({
        %run_scoped3A = tpu.sem_alloc : memref<!tpu.dma_semaphore, #tpu.memory_space<semaphore_mem>>
        %dma_start3A_69 = tpu.memref_slice %arg2[%add3A_47] : memref<320000xi32, #tpu.memory_space<hbm>> -> memref<128xi32, #tpu.memory_space<hbm>>
        %dma_start3A_70 = tpu.memref_slice %arg2[%add3A_47] : memref<320000xi32, #tpu.memory_space<hbm>> -> memref<128xi32, #tpu.memory_space<hbm>>
        tpu.enqueue_dma source(%dma_start3A_70 : memref<128xi32, #tpu.memory_space<hbm>>) target(%arg16 : memref<128xi32, #tpu.memory_space<vmem>>) target_semaphore(%run_scoped3A : memref<!tpu.dma_semaphore, #tpu.memory_space<semaphore_mem>>)
        %dma_wait3A_71 = tpu.memref_slice %arg2[%add3A_47] : memref<320000xi32, #tpu.memory_space<hbm>> -> memref<128xi32, #tpu.memory_space<hbm>>
        %dma_wait3A_72 = tpu.memref_slice %arg2[%add3A_47] : memref<320000xi32, #tpu.memory_space<hbm>> -> memref<128xi32, #tpu.memory_space<hbm>>
        tpu.wait_dma2 semaphore(%run_scoped3A : memref<!tpu.dma_semaphore, #tpu.memory_space<semaphore_mem>>) src(%dma_wait3A_72 : memref<128xi32, #tpu.memory_space<hbm>>) dst(%arg16 : memref<128xi32, #tpu.memory_space<vmem>>)
        tpu.yield
      }) : () -> ()
      "tpu.region"() ({
        %run_scoped3A = tpu.sem_alloc : memref<!tpu.dma_semaphore, #tpu.memory_space<semaphore_mem>>
        %dma_start3A_69 = tpu.memref_slice %arg3[%add3A_47] : memref<320000xi32, #tpu.memory_space<hbm>> -> memref<128xi32, #tpu.memory_space<hbm>>
        %dma_start3A_70 = tpu.memref_slice %arg3[%add3A_47] : memref<320000xi32, #tpu.memory_space<hbm>> -> memref<128xi32, #tpu.memory_space<hbm>>
        tpu.enqueue_dma source(%dma_start3A_70 : memref<128xi32, #tpu.memory_space<hbm>>) target(%arg17 : memref<128xi32, #tpu.memory_space<vmem>>) target_semaphore(%run_scoped3A : memref<!tpu.dma_semaphore, #tpu.memory_space<semaphore_mem>>)
        %dma_wait3A_71 = tpu.memref_slice %arg3[%add3A_47] : memref<320000xi32, #tpu.memory_space<hbm>> -> memref<128xi32, #tpu.memory_space<hbm>>
        %dma_wait3A_72 = tpu.memref_slice %arg3[%add3A_47] : memref<320000xi32, #tpu.memory_space<hbm>> -> memref<128xi32, #tpu.memory_space<hbm>>
        tpu.wait_dma2 semaphore(%run_scoped3A : memref<!tpu.dma_semaphore, #tpu.memory_space<semaphore_mem>>) src(%dma_wait3A_72 : memref<128xi32, #tpu.memory_space<hbm>>) dst(%arg17 : memref<128xi32, #tpu.memory_space<vmem>>)
        tpu.yield
      }) : () -> ()
      "tpu.region"() ({
        %run_scoped3A = tpu.sem_alloc : memref<!tpu.dma_semaphore, #tpu.memory_space<semaphore_mem>>
        %dma_start3A_69 = tpu.memref_slice %arg4[%add3A_47] : memref<320000xi32, #tpu.memory_space<hbm>> -> memref<128xi32, #tpu.memory_space<hbm>>
        %dma_start3A_70 = tpu.memref_slice %arg4[%add3A_47] : memref<320000xi32, #tpu.memory_space<hbm>> -> memref<128xi32, #tpu.memory_space<hbm>>
        tpu.enqueue_dma source(%dma_start3A_70 : memref<128xi32, #tpu.memory_space<hbm>>) target(%arg18 : memref<128xi32, #tpu.memory_space<vmem>>) target_semaphore(%run_scoped3A : memref<!tpu.dma_semaphore, #tpu.memory_space<semaphore_mem>>)
        %dma_wait3A_71 = tpu.memref_slice %arg4[%add3A_47] : memref<320000xi32, #tpu.memory_space<hbm>> -> memref<128xi32, #tpu.memory_space<hbm>>
        %dma_wait3A_72 = tpu.memref_slice %arg4[%add3A_47] : memref<320000xi32, #tpu.memory_space<hbm>> -> memref<128xi32, #tpu.memory_space<hbm>>
        tpu.wait_dma2 semaphore(%run_scoped3A : memref<!tpu.dma_semaphore, #tpu.memory_space<semaphore_mem>>) src(%dma_wait3A_72 : memref<128xi32, #tpu.memory_space<hbm>>) dst(%arg18 : memref<128xi32, #tpu.memory_space<vmem>>)
        tpu.yield
      }) : () -> ()
      "tpu.region"() ({
        %run_scoped3A = tpu.sem_alloc : memref<!tpu.dma_semaphore, #tpu.memory_space<semaphore_mem>>
        %dma_start3A_69 = tpu.memref_slice %arg5[%add3A_47] : memref<320000xi32, #tpu.memory_space<hbm>> -> memref<128xi32, #tpu.memory_space<hbm>>
        %dma_start3A_70 = tpu.memref_slice %arg5[%add3A_47] : memref<320000xi32, #tpu.memory_space<hbm>> -> memref<128xi32, #tpu.memory_space<hbm>>
        tpu.enqueue_dma source(%dma_start3A_70 : memref<128xi32, #tpu.memory_space<hbm>>) target(%arg19 : memref<128xi32, #tpu.memory_space<vmem>>) target_semaphore(%run_scoped3A : memref<!tpu.dma_semaphore, #tpu.memory_space<semaphore_mem>>)
        %dma_wait3A_71 = tpu.memref_slice %arg5[%add3A_47] : memref<320000xi32, #tpu.memory_space<hbm>> -> memref<128xi32, #tpu.memory_space<hbm>>
        %dma_wait3A_72 = tpu.memref_slice %arg5[%add3A_47] : memref<320000xi32, #tpu.memory_space<hbm>> -> memref<128xi32, #tpu.memory_space<hbm>>
        tpu.wait_dma2 semaphore(%run_scoped3A : memref<!tpu.dma_semaphore, #tpu.memory_space<semaphore_mem>>) src(%dma_wait3A_72 : memref<128xi32, #tpu.memory_space<hbm>>) dst(%arg19 : memref<128xi32, #tpu.memory_space<vmem>>)
        tpu.yield
      }) : () -> ()
      %dma_start3A_48 = arith.constant 0 : i32
      %dma_start3A_49 = arith.constant 0 : i32
      %dma_start3A_50 = tpu.memref_slice %arg7[%dma_start3A_48, %dma_start3A_49] : memref<10000x16xf32, #tpu.memory_space<hbm>> -> memref<10000x16xf32, #tpu.memory_space<hbm>>
      tpu.enqueue_indirect_dma source(%dma_start3A_50 : memref<10000x16xf32, #tpu.memory_space<hbm>>) target(%arg20 : memref<128x16xf32, #tpu.memory_space<vmem>>) offsets(%arg16 : memref<128xi32, #tpu.memory_space<vmem>>) semaphore(%arg33 : memref<!tpu.dma_semaphore, #tpu.memory_space<semaphore_mem>>)
      %dma_start3A_51 = arith.constant 0 : i32
      %dma_start3A_52 = arith.constant 0 : i32
      %dma_start3A_53 = tpu.memref_slice %arg6[%dma_start3A_51, %dma_start3A_52] : memref<10000x128xf32, #tpu.memory_space<hbm>> -> memref<10000x128xf32, #tpu.memory_space<hbm>>
      tpu.enqueue_indirect_dma source(%dma_start3A_53 : memref<10000x128xf32, #tpu.memory_space<hbm>>) target(%arg21 : memref<128x128xf32, #tpu.memory_space<vmem>>) offsets(%arg16 : memref<128xi32, #tpu.memory_space<vmem>>) semaphore(%arg33 : memref<!tpu.dma_semaphore, #tpu.memory_space<semaphore_mem>>)
      %dma_wait3A_54 = arith.constant 0 : i32
      %dma_wait3A_55 = arith.constant 0 : i32
      %dma_wait3A_56 = tpu.memref_slice %arg7[%dma_wait3A_54, %dma_wait3A_55] : memref<10000x16xf32, #tpu.memory_space<hbm>> -> memref<10000x16xf32, #tpu.memory_space<hbm>>
      tpu.wait_indirect_dma semaphore(%arg33 : memref<!tpu.dma_semaphore, #tpu.memory_space<semaphore_mem>>) src(%dma_wait3A_56 : memref<10000x16xf32, #tpu.memory_space<hbm>>) dst(%arg20 : memref<128x16xf32, #tpu.memory_space<vmem>>)
      %dma_wait3A_57 = arith.constant 0 : i32
      %dma_wait3A_58 = arith.constant 0 : i32
      %dma_wait3A_59 = tpu.memref_slice %arg6[%dma_wait3A_57, %dma_wait3A_58] : memref<10000x128xf32, #tpu.memory_space<hbm>> -> memref<10000x128xf32, #tpu.memory_space<hbm>>
      tpu.wait_indirect_dma semaphore(%arg33 : memref<!tpu.dma_semaphore, #tpu.memory_space<semaphore_mem>>) src(%dma_wait3A_59 : memref<10000x128xf32, #tpu.memory_space<hbm>>) dst(%arg21 : memref<128x128xf32, #tpu.memory_space<vmem>>)
      %iota3A_60 = tpu.iota {dimensions = array<i32: 0>} : vector<16xi32>
      %scan3A_61 = arith.constant 0 : i32
      %scan3A_62 = arith.constant 0 : i32
      %scan3A_63 = arith.constant 128 : i32
      %scan3A_64 = arith.addi %scan3A_62, %scan3A_63 : i32
      %scan3A_65 = arith.constant 1 : i32
      %scan3A_66 = scf.for %scan3A_69 = %scan3A_62 to %scan3A_64 step %scan3A_65 iter_args(%scan3A_70 = %scan3A_61) -> (i32)  : i32 {
        %broadcast_in_dim3A = vector.broadcast %scan3A_69 : i32 to vector<16xi32>
        %gather3A = tpu.vector_load_idx %arg17[%broadcast_in_dim3A] : memref<128xi32, #tpu.memory_space<vmem>>[vector<16xi32>], vector<16xi32>,
        %gather3A_71 = tpu.vector_load_idx %arg19[%broadcast_in_dim3A] : memref<128xi32, #tpu.memory_space<vmem>>[vector<16xi32>], vector<16xi32>,
        %get3A_72 = arith.index_cast %scan3A_69 : i32 to index
        %get3A_73 = arith.constant 0 : index
        %get3A_74 = tpu.vector_load %arg20[%get3A_72, %get3A_73] {strides = array<i32>} : memref<128x16xf32, #tpu.memory_space<vmem>>, vector<16xf32>,
        %mul3A_75 = arith.constant 16 : i32
        %mul3A_76 = vector.broadcast %mul3A_75 : i32 to vector<16xi32>
        %mul3A_77 = arith.muli %gather3A, %mul3A_76 : vector<16xi32>
        %add3A_78 = arith.addi %mul3A_77, %iota3A_60 : vector<16xi32>
        %gather3A_79 = tpu.vector_load_idx %arg28[%add3A_78] : memref<368xf32, #tpu.memory_space<vmem>>[vector<16xi32>], vector<16xf32>,
        %mul3A_80 = arith.constant 16 : i32
        %mul3A_81 = vector.broadcast %mul3A_80 : i32 to vector<16xi32>
        %mul3A_82 = arith.muli %gather3A_71, %mul3A_81 : vector<16xi32>
        %add3A_83 = arith.addi %mul3A_82, %iota3A_60 : vector<16xi32>
        %gather3A_84 = tpu.vector_load_idx %arg29[%add3A_83] : memref<8192xf32, #tpu.memory_space<vmem>>[vector<16xi32>], vector<16xf32>,
        %add3A_85 = arith.addf %get3A_74, %gather3A_79 : vector<16xf32>
        %add3A_86 = arith.addf %add3A_85, %gather3A_84 : vector<16xf32>
        %max3A = arith.constant 0.000000e+00 : f32
        %max3A_87 = vector.broadcast %max3A : f32 to vector<16xf32>
        %max3A_88 = arith.maximumf %add3A_86, %max3A_87 : vector<16xf32>
        %mul3A_89 = arith.mulf %max3A_88, %get3A_5 : vector<16xf32>
        %reduce_sum3A = arith.constant true
        %reduce_sum3A_90 = vector.broadcast %reduce_sum3A : i1 to vector<16xi1>
        %reduce_sum3A_91 = tpu.scan <sum>, %mul3A_89 masked %reduce_sum3A_90 : vector<16xf32>, vector<16xi1> -> vector<16xf32>
        %reduce_sum3A_92 = vector.extract %reduce_sum3A_91[15] : f32 from vector<16xf32>
        %broadcast_in_dim3A_93 = vector.broadcast %reduce_sum3A_92 : f32 to vector<16xf32>
        %add3A_94 = arith.addf %get3A_7, %broadcast_in_dim3A_93 : vector<16xf32>
        %neg3A = arith.constant 0.000000e+00 : f32
        %neg3A_95 = vector.broadcast %neg3A : f32 to vector<16xf32>
        %neg3A_96 = arith.subf %neg3A_95, %add3A_94 : vector<16xf32>
        %exp3A = math.exp %neg3A_96 : vector<16xf32>
        %add3A_97 = arith.constant 1.000000e+00 : f32
        %add3A_98 = vector.broadcast %add3A_97 : f32 to vector<16xf32>
        %add3A_99 = arith.addf %add3A_98, %exp3A : vector<16xf32>
        %div3A = arith.constant 1.000000e+00 : f32
        %div3A_100 = vector.broadcast %div3A : f32 to vector<16xf32>
        %div3A_101 = arith.divf %div3A_100, %add3A_99 : vector<16xf32>
        %mul3A_102 = arith.constant 128 : i32
        %mul3A_103 = vector.broadcast %mul3A_102 : i32 to vector<16xi32>
        %mul3A_104 = arith.muli %gather3A, %mul3A_103 : vector<16xi32>
        %add3A_105 = arith.addi %mul3A_104, %iota3A_60 : vector<16xi32>
        %get3A_106 = arith.constant 0 : i32
        %get3A_107 = tpu.memref_slice %arg21[%scan3A_69, %get3A_106] : memref<128x128xf32, #tpu.memory_space<vmem>> -> memref<1x128xf32, #tpu.memory_space<vmem>>
        %get3A_108 = tpu.memref_squeeze %get3A_107 : memref<1x128xf32, #tpu.memory_space<vmem>> -> memref<128xf32, #tpu.memory_space<vmem>>
        %get3A_109 = arith.constant 0 : index
        %get3A_110 = tpu.vector_load %get3A_108[%get3A_109] {strides = array<i32>} : memref<128xf32, #tpu.memory_space<vmem>>, vector<16xf32>,
        %add3A_111 = arith.constant 0 : i32
        %add3A_112 = vector.broadcast %add3A_111 : i32 to vector<16xi32>
        %add3A_113 = arith.addi %add3A_105, %add3A_112 : vector<16xi32>
        %gather3A_114 = tpu.vector_load_idx %arg30[%add3A_113] : memref<2944xf32, #tpu.memory_space<vmem>>[vector<16xi32>], vector<16xf32>,
        %add3A_115 = arith.addf %get3A_110, %gather3A_114 : vector<16xf32>
        %mul3A_116 = arith.mulf %div3A_101, %add3A_115 : vector<16xf32>
        %swap3A = arith.constant 0 : i32
        %swap3A_117 = tpu.memref_slice %arg21[%scan3A_69, %swap3A] : memref<128x128xf32, #tpu.memory_space<vmem>> -> memref<1x128xf32, #tpu.memory_space<vmem>>
        %swap3A_118 = tpu.memref_squeeze %swap3A_117 : memref<1x128xf32, #tpu.memory_space<vmem>> -> memref<128xf32, #tpu.memory_space<vmem>>
        %swap3A_119 = arith.constant 0 : index
        %swap3A_120 = tpu.vector_load %swap3A_118[%swap3A_119] {strides = array<i32>} : memref<128xf32, #tpu.memory_space<vmem>>, vector<16xf32>,
        tpu.vector_store %swap3A_118[%swap3A_119], %mul3A_116 {strides = array<i32>} : memref<128xf32, #tpu.memory_space<vmem>>, vector<16xf32>,
        %get3A_121 = arith.constant 0 : i32
        %get3A_122 = tpu.memref_slice %arg21[%scan3A_69, %get3A_121] : memref<128x128xf32, #tpu.memory_space<vmem>> -> memref<1x128xf32, #tpu.memory_space<vmem>>
        %get3A_123 = tpu.memref_squeeze %get3A_122 : memref<1x128xf32, #tpu.memory_space<vmem>> -> memref<128xf32, #tpu.memory_space<vmem>>
        %get3A_124 = arith.constant 16 : index
        %get3A_125 = tpu.vector_load %get3A_123[%get3A_124] {strides = array<i32>} : memref<128xf32, #tpu.memory_space<vmem>>, vector<16xf32>,
        %add3A_126 = arith.constant 16 : i32
        %add3A_127 = vector.broadcast %add3A_126 : i32 to vector<16xi32>
        %add3A_128 = arith.addi %add3A_105, %add3A_127 : vector<16xi32>
        %gather3A_129 = tpu.vector_load_idx %arg30[%add3A_128] : memref<2944xf32, #tpu.memory_space<vmem>>[vector<16xi32>], vector<16xf32>,
        %add3A_130 = arith.addf %get3A_125, %gather3A_129 : vector<16xf32>
        %mul3A_131 = arith.mulf %div3A_101, %add3A_130 : vector<16xf32>
        %swap3A_132 = arith.constant 0 : i32
        %swap3A_133 = tpu.memref_slice %arg21[%scan3A_69, %swap3A_132] : memref<128x128xf32, #tpu.memory_space<vmem>> -> memref<1x128xf32, #tpu.memory_space<vmem>>
        %swap3A_134 = tpu.memref_squeeze %swap3A_133 : memref<1x128xf32, #tpu.memory_space<vmem>> -> memref<128xf32, #tpu.memory_space<vmem>>
        %swap3A_135 = arith.constant 16 : index
        %swap3A_136 = tpu.vector_load %swap3A_134[%swap3A_135] {strides = array<i32>} : memref<128xf32, #tpu.memory_space<vmem>>, vector<16xf32>,
        tpu.vector_store %swap3A_134[%swap3A_135], %mul3A_131 {strides = array<i32>} : memref<128xf32, #tpu.memory_space<vmem>>, vector<16xf32>,
        %get3A_137 = arith.constant 0 : i32
        %get3A_138 = tpu.memref_slice %arg21[%scan3A_69, %get3A_137] : memref<128x128xf32, #tpu.memory_space<vmem>> -> memref<1x128xf32, #tpu.memory_space<vmem>>
        %get3A_139 = tpu.memref_squeeze %get3A_138 : memref<1x128xf32, #tpu.memory_space<vmem>> -> memref<128xf32, #tpu.memory_space<vmem>>
        %get3A_140 = arith.constant 32 : index
        %get3A_141 = tpu.vector_load %get3A_139[%get3A_140] {strides = array<i32>} : memref<128xf32, #tpu.memory_space<vmem>>, vector<16xf32>,
        %add3A_142 = arith.constant 32 : i32
        %add3A_143 = vector.broadcast %add3A_142 : i32 to vector<16xi32>
        %add3A_144 = arith.addi %add3A_105, %add3A_143 : vector<16xi32>
        %gather3A_145 = tpu.vector_load_idx %arg30[%add3A_144] : memref<2944xf32, #tpu.memory_space<vmem>>[vector<16xi32>], vector<16xf32>,
        %add3A_146 = arith.addf %get3A_141, %gather3A_145 : vector<16xf32>
        %mul3A_147 = arith.mulf %div3A_101, %add3A_146 : vector<16xf32>
        %swap3A_148 = arith.constant 0 : i32
        %swap3A_149 = tpu.memref_slice %arg21[%scan3A_69, %swap3A_148] : memref<128x128xf32, #tpu.memory_space<vmem>> -> memref<1x128xf32, #tpu.memory_space<vmem>>
        %swap3A_150 = tpu.memref_squeeze %swap3A_149 : memref<1x128xf32, #tpu.memory_space<vmem>> -> memref<128xf32, #tpu.memory_space<vmem>>
        %swap3A_151 = arith.constant 32 : index
        %swap3A_152 = tpu.vector_load %swap3A_150[%swap3A_151] {strides = array<i32>} : memref<128xf32, #tpu.memory_space<vmem>>, vector<16xf32>,
        tpu.vector_store %swap3A_150[%swap3A_151], %mul3A_147 {strides = array<i32>} : memref<128xf32, #tpu.memory_space<vmem>>, vector<16xf32>,
        %get3A_153 = arith.constant 0 : i32
        %get3A_154 = tpu.memref_slice %arg21[%scan3A_69, %get3A_153] : memref<128x128xf32, #tpu.memory_space<vmem>> -> memref<1x128xf32, #tpu.memory_space<vmem>>
        %get3A_155 = tpu.memref_squeeze %get3A_154 : memref<1x128xf32, #tpu.memory_space<vmem>> -> memref<128xf32, #tpu.memory_space<vmem>>
        %get3A_156 = arith.constant 48 : index
        %get3A_157 = tpu.vector_load %get3A_155[%get3A_156] {strides = array<i32>} : memref<128xf32, #tpu.memory_space<vmem>>, vector<16xf32>,
        %add3A_158 = arith.constant 48 : i32
        %add3A_159 = vector.broadcast %add3A_158 : i32 to vector<16xi32>
        %add3A_160 = arith.addi %add3A_105, %add3A_159 : vector<16xi32>
        %gather3A_161 = tpu.vector_load_idx %arg30[%add3A_160] : memref<2944xf32, #tpu.memory_space<vmem>>[vector<16xi32>], vector<16xf32>,
        %add3A_162 = arith.addf %get3A_157, %gather3A_161 : vector<16xf32>
        %mul3A_163 = arith.mulf %div3A_101, %add3A_162 : vector<16xf32>
        %swap3A_164 = arith.constant 0 : i32
        %swap3A_165 = tpu.memref_slice %arg21[%scan3A_69, %swap3A_164] : memref<128x128xf32, #tpu.memory_space<vmem>> -> memref<1x128xf32, #tpu.memory_space<vmem>>
        %swap3A_166 = tpu.memref_squeeze %swap3A_165 : memref<1x128xf32, #tpu.memory_space<vmem>> -> memref<128xf32, #tpu.memory_space<vmem>>
        %swap3A_167 = arith.constant 48 : index
        %swap3A_168 = tpu.vector_load %swap3A_166[%swap3A_167] {strides = array<i32>} : memref<128xf32, #tpu.memory_space<vmem>>, vector<16xf32>,
        tpu.vector_store %swap3A_166[%swap3A_167], %mul3A_163 {strides = array<i32>} : memref<128xf32, #tpu.memory_space<vmem>>, vector<16xf32>,
        %get3A_169 = arith.constant 0 : i32
        %get3A_170 = tpu.memref_slice %arg21[%scan3A_69, %get3A_169] : memref<128x128xf32, #tpu.memory_space<vmem>> -> memref<1x128xf32, #tpu.memory_space<vmem>>
        %get3A_171 = tpu.memref_squeeze %get3A_170 : memref<1x128xf32, #tpu.memory_space<vmem>> -> memref<128xf32, #tpu.memory_space<vmem>>
        %get3A_172 = arith.constant 64 : index
        %get3A_173 = tpu.vector_load %get3A_171[%get3A_172] {strides = array<i32>} : memref<128xf32, #tpu.memory_space<vmem>>, vector<16xf32>,
        %add3A_174 = arith.constant 64 : i32
        %add3A_175 = vector.broadcast %add3A_174 : i32 to vector<16xi32>
        %add3A_176 = arith.addi %add3A_105, %add3A_175 : vector<16xi32>
        %gather3A_177 = tpu.vector_load_idx %arg30[%add3A_176] : memref<2944xf32, #tpu.memory_space<vmem>>[vector<16xi32>], vector<16xf32>,
        %add3A_178 = arith.addf %get3A_173, %gather3A_177 : vector<16xf32>
        %mul3A_179 = arith.mulf %div3A_101, %add3A_178 : vector<16xf32>
        %swap3A_180 = arith.constant 0 : i32
        %swap3A_181 = tpu.memref_slice %arg21[%scan3A_69, %swap3A_180] : memref<128x128xf32, #tpu.memory_space<vmem>> -> memref<1x128xf32, #tpu.memory_space<vmem>>
        %swap3A_182 = tpu.memref_squeeze %swap3A_181 : memref<1x128xf32, #tpu.memory_space<vmem>> -> memref<128xf32, #tpu.memory_space<vmem>>
        %swap3A_183 = arith.constant 64 : index
        %swap3A_184 = tpu.vector_load %swap3A_182[%swap3A_183] {strides = array<i32>} : memref<128xf32, #tpu.memory_space<vmem>>, vector<16xf32>,
        tpu.vector_store %swap3A_182[%swap3A_183], %mul3A_179 {strides = array<i32>} : memref<128xf32, #tpu.memory_space<vmem>>, vector<16xf32>,
        %get3A_185 = arith.constant 0 : i32
        %get3A_186 = tpu.memref_slice %arg21[%scan3A_69, %get3A_185] : memref<128x128xf32, #tpu.memory_space<vmem>> -> memref<1x128xf32, #tpu.memory_space<vmem>>
        %get3A_187 = tpu.memref_squeeze %get3A_186 : memref<1x128xf32, #tpu.memory_space<vmem>> -> memref<128xf32, #tpu.memory_space<vmem>>
        %get3A_188 = arith.constant 80 : index
        %get3A_189 = tpu.vector_load %get3A_187[%get3A_188] {strides = array<i32>} : memref<128xf32, #tpu.memory_space<vmem>>, vector<16xf32>,
        %add3A_190 = arith.constant 80 : i32
        %add3A_191 = vector.broadcast %add3A_190 : i32 to vector<16xi32>
        %add3A_192 = arith.addi %add3A_105, %add3A_191 : vector<16xi32>
        %gather3A_193 = tpu.vector_load_idx %arg30[%add3A_192] : memref<2944xf32, #tpu.memory_space<vmem>>[vector<16xi32>], vector<16xf32>,
        %add3A_194 = arith.addf %get3A_189, %gather3A_193 : vector<16xf32>
        %mul3A_195 = arith.mulf %div3A_101, %add3A_194 : vector<16xf32>
        %swap3A_196 = arith.constant 0 : i32
        %swap3A_197 = tpu.memref_slice %arg21[%scan3A_69, %swap3A_196] : memref<128x128xf32, #tpu.memory_space<vmem>> -> memref<1x128xf32, #tpu.memory_space<vmem>>
        %swap3A_198 = tpu.memref_squeeze %swap3A_197 : memref<1x128xf32, #tpu.memory_space<vmem>> -> memref<128xf32, #tpu.memory_space<vmem>>
        %swap3A_199 = arith.constant 80 : index
        %swap3A_200 = tpu.vector_load %swap3A_198[%swap3A_199] {strides = array<i32>} : memref<128xf32, #tpu.memory_space<vmem>>, vector<16xf32>,
        tpu.vector_store %swap3A_198[%swap3A_199], %mul3A_195 {strides = array<i32>} : memref<128xf32, #tpu.memory_space<vmem>>, vector<16xf32>,
        %get3A_201 = arith.constant 0 : i32
        %get3A_202 = tpu.memref_slice %arg21[%scan3A_69, %get3A_201] : memref<128x128xf32, #tpu.memory_space<vmem>> -> memref<1x128xf32, #tpu.memory_space<vmem>>
        %get3A_203 = tpu.memref_squeeze %get3A_202 : memref<1x128xf32, #tpu.memory_space<vmem>> -> memref<128xf32, #tpu.memory_space<vmem>>
        %get3A_204 = arith.constant 96 : index
        %get3A_205 = tpu.vector_load %get3A_203[%get3A_204] {strides = array<i32>} : memref<128xf32, #tpu.memory_space<vmem>>, vector<16xf32>,
        %add3A_206 = arith.constant 96 : i32
        %add3A_207 = vector.broadcast %add3A_206 : i32 to vector<16xi32>
        %add3A_208 = arith.addi %add3A_105, %add3A_207 : vector<16xi32>
        %gather3A_209 = tpu.vector_load_idx %arg30[%add3A_208] : memref<2944xf32, #tpu.memory_space<vmem>>[vector<16xi32>], vector<16xf32>,
        %add3A_210 = arith.addf %get3A_205, %gather3A_209 : vector<16xf32>
        %mul3A_211 = arith.mulf %div3A_101, %add3A_210 : vector<16xf32>
        %swap3A_212 = arith.constant 0 : i32
        %swap3A_213 = tpu.memref_slice %arg21[%scan3A_69, %swap3A_212] : memref<128x128xf32, #tpu.memory_space<vmem>> -> memref<1x128xf32, #tpu.memory_space<vmem>>
        %swap3A_214 = tpu.memref_squeeze %swap3A_213 : memref<1x128xf32, #tpu.memory_space<vmem>> -> memref<128xf32, #tpu.memory_space<vmem>>
        %swap3A_215 = arith.constant 96 : index
        %swap3A_216 = tpu.vector_load %swap3A_214[%swap3A_215] {strides = array<i32>} : memref<128xf32, #tpu.memory_space<vmem>>, vector<16xf32>,
        tpu.vector_store %swap3A_214[%swap3A_215], %mul3A_211 {strides = array<i32>} : memref<128xf32, #tpu.memory_space<vmem>>, vector<16xf32>,
        %get3A_217 = arith.constant 0 : i32
        %get3A_218 = tpu.memref_slice %arg21[%scan3A_69, %get3A_217] : memref<128x128xf32, #tpu.memory_space<vmem>> -> memref<1x128xf32, #tpu.memory_space<vmem>>
        %get3A_219 = tpu.memref_squeeze %get3A_218 : memref<1x128xf32, #tpu.memory_space<vmem>> -> memref<128xf32, #tpu.memory_space<vmem>>
        %get3A_220 = arith.constant 112 : index
        %get3A_221 = tpu.vector_load %get3A_219[%get3A_220] {strides = array<i32>} : memref<128xf32, #tpu.memory_space<vmem>>, vector<16xf32>,
        %add3A_222 = arith.constant 112 : i32
        %add3A_223 = vector.broadcast %add3A_222 : i32 to vector<16xi32>
        %add3A_224 = arith.addi %add3A_105, %add3A_223 : vector<16xi32>
        %gather3A_225 = tpu.vector_load_idx %arg30[%add3A_224] : memref<2944xf32, #tpu.memory_space<vmem>>[vector<16xi32>], vector<16xf32>,
        %add3A_226 = arith.addf %get3A_221, %gather3A_225 : vector<16xf32>
        %mul3A_227 = arith.mulf %div3A_101, %add3A_226 : vector<16xf32>
        %swap3A_228 = arith.constant 0 : i32
        %swap3A_229 = tpu.memref_slice %arg21[%scan3A_69, %swap3A_228] : memref<128x128xf32, #tpu.memory_space<vmem>> -> memref<1x128xf32, #tpu.memory_space<vmem>>
        %swap3A_230 = tpu.memref_squeeze %swap3A_229 : memref<1x128xf32, #tpu.memory_space<vmem>> -> memref<128xf32, #tpu.memory_space<vmem>>
        %swap3A_231 = arith.constant 112 : index
        %swap3A_232 = tpu.vector_load %swap3A_230[%swap3A_231] {strides = array<i32>} : memref<128xf32, #tpu.memory_space<vmem>>, vector<16xf32>,
        tpu.vector_store %swap3A_230[%swap3A_231], %mul3A_227 {strides = array<i32>} : memref<128xf32, #tpu.memory_space<vmem>>, vector<16xf32>,
        %scan3A_233 = arith.constant 0 : i32
        scf.yield %scan3A_233 : i32
      }
      %scan3A_67 = arith.constant 128 : i32
      "tpu.region"() ({
        %run_scoped3A = tpu.sem_alloc : memref<!tpu.dma_semaphore, #tpu.memory_space<semaphore_mem>>
        %dma_start3A_69 = arith.constant 0 : i32
        %dma_start3A_70 = arith.constant 0 : i32
        %dma_start3A_71 = tpu.memref_slice %arg15[%dma_start3A_69, %dma_start3A_70] : memref<10240x128xf32, #tpu.memory_space<vmem_shared>> -> memref<10240x128xf32, #tpu.memory_space<vmem_shared>>
        tpu.enqueue_indirect_dma source(%arg21 : memref<128x128xf32, #tpu.memory_space<vmem>>) target(%dma_start3A_71 : memref<10240x128xf32, #tpu.memory_space<vmem_shared>>) offsets(%arg18 : memref<128xi32, #tpu.memory_space<vmem>>) semaphore(%run_scoped3A : memref<!tpu.dma_semaphore, #tpu.memory_space<semaphore_mem>>) {add = true}
        %dma_wait3A_72 = arith.constant 0 : i32
        %dma_wait3A_73 = arith.constant 0 : i32
        %dma_wait3A_74 = tpu.memref_slice %arg15[%dma_wait3A_72, %dma_wait3A_73] : memref<10240x128xf32, #tpu.memory_space<vmem_shared>> -> memref<10240x128xf32, #tpu.memory_space<vmem_shared>>
        tpu.wait_indirect_dma semaphore(%run_scoped3A : memref<!tpu.dma_semaphore, #tpu.memory_space<semaphore_mem>>) src(%arg21 : memref<128x128xf32, #tpu.memory_space<vmem>>) dst(%dma_wait3A_74 : memref<10240x128xf32, #tpu.memory_space<vmem_shared>>)
        tpu.yield
      }) : () -> ()
      %scan3A_68 = arith.constant 0 : i32
      scf.yield %scan3A_68 : i32
    }
    %scan3A_15 = arith.constant 78 : i32
    %add3A_16 = arith.constant 9984 : i32
    %add3A_17 = arith.addi %mul3A_9, %add3A_16 : i32
    "tpu.region"() ({
      %run_scoped3A = tpu.sem_alloc : memref<!tpu.dma_semaphore, #tpu.memory_space<semaphore_mem>>
      %dma_start3A_43 = tpu.memref_slice %arg2[%add3A_17] : memref<320000xi32, #tpu.memory_space<hbm>> -> memref<16xi32, #tpu.memory_space<hbm>>
      %dma_start3A_44 = tpu.memref_slice %arg2[%add3A_17] : memref<320000xi32, #tpu.memory_space<hbm>> -> memref<16xi32, #tpu.memory_space<hbm>>
      tpu.enqueue_dma source(%dma_start3A_44 : memref<16xi32, #tpu.memory_space<hbm>>) target(%arg22 : memref<16xi32, #tpu.memory_space<vmem>>) target_semaphore(%run_scoped3A : memref<!tpu.dma_semaphore, #tpu.memory_space<semaphore_mem>>)
      %dma_wait3A_45 = tpu.memref_slice %arg2[%add3A_17] : memref<320000xi32, #tpu.memory_space<hbm>> -> memref<16xi32, #tpu.memory_space<hbm>>
      %dma_wait3A_46 = tpu.memref_slice %arg2[%add3A_17] : memref<320000xi32, #tpu.memory_space<hbm>> -> memref<16xi32, #tpu.memory_space<hbm>>
      tpu.wait_dma2 semaphore(%run_scoped3A : memref<!tpu.dma_semaphore, #tpu.memory_space<semaphore_mem>>) src(%dma_wait3A_46 : memref<16xi32, #tpu.memory_space<hbm>>) dst(%arg22 : memref<16xi32, #tpu.memory_space<vmem>>)
      tpu.yield
    }) : () -> ()
    "tpu.region"() ({
      %run_scoped3A = tpu.sem_alloc : memref<!tpu.dma_semaphore, #tpu.memory_space<semaphore_mem>>
      %dma_start3A_43 = tpu.memref_slice %arg3[%add3A_17] : memref<320000xi32, #tpu.memory_space<hbm>> -> memref<16xi32, #tpu.memory_space<hbm>>
      %dma_start3A_44 = tpu.memref_slice %arg3[%add3A_17] : memref<320000xi32, #tpu.memory_space<hbm>> -> memref<16xi32, #tpu.memory_space<hbm>>
      tpu.enqueue_dma source(%dma_start3A_44 : memref<16xi32, #tpu.memory_space<hbm>>) target(%arg23 : memref<16xi32, #tpu.memory_space<vmem>>) target_semaphore(%run_scoped3A : memref<!tpu.dma_semaphore, #tpu.memory_space<semaphore_mem>>)
      %dma_wait3A_45 = tpu.memref_slice %arg3[%add3A_17] : memref<320000xi32, #tpu.memory_space<hbm>> -> memref<16xi32, #tpu.memory_space<hbm>>
      %dma_wait3A_46 = tpu.memref_slice %arg3[%add3A_17] : memref<320000xi32, #tpu.memory_space<hbm>> -> memref<16xi32, #tpu.memory_space<hbm>>
      tpu.wait_dma2 semaphore(%run_scoped3A : memref<!tpu.dma_semaphore, #tpu.memory_space<semaphore_mem>>) src(%dma_wait3A_46 : memref<16xi32, #tpu.memory_space<hbm>>) dst(%arg23 : memref<16xi32, #tpu.memory_space<vmem>>)
      tpu.yield
    }) : () -> ()
    "tpu.region"() ({
      %run_scoped3A = tpu.sem_alloc : memref<!tpu.dma_semaphore, #tpu.memory_space<semaphore_mem>>
      %dma_start3A_43 = tpu.memref_slice %arg4[%add3A_17] : memref<320000xi32, #tpu.memory_space<hbm>> -> memref<16xi32, #tpu.memory_space<hbm>>
      %dma_start3A_44 = tpu.memref_slice %arg4[%add3A_17] : memref<320000xi32, #tpu.memory_space<hbm>> -> memref<16xi32, #tpu.memory_space<hbm>>
      tpu.enqueue_dma source(%dma_start3A_44 : memref<16xi32, #tpu.memory_space<hbm>>) target(%arg24 : memref<16xi32, #tpu.memory_space<vmem>>) target_semaphore(%run_scoped3A : memref<!tpu.dma_semaphore, #tpu.memory_space<semaphore_mem>>)
      %dma_wait3A_45 = tpu.memref_slice %arg4[%add3A_17] : memref<320000xi32, #tpu.memory_space<hbm>> -> memref<16xi32, #tpu.memory_space<hbm>>
      %dma_wait3A_46 = tpu.memref_slice %arg4[%add3A_17] : memref<320000xi32, #tpu.memory_space<hbm>> -> memref<16xi32, #tpu.memory_space<hbm>>
      tpu.wait_dma2 semaphore(%run_scoped3A : memref<!tpu.dma_semaphore, #tpu.memory_space<semaphore_mem>>) src(%dma_wait3A_46 : memref<16xi32, #tpu.memory_space<hbm>>) dst(%arg24 : memref<16xi32, #tpu.memory_space<vmem>>)
      tpu.yield
    }) : () -> ()
    "tpu.region"() ({
      %run_scoped3A = tpu.sem_alloc : memref<!tpu.dma_semaphore, #tpu.memory_space<semaphore_mem>>
      %dma_start3A_43 = tpu.memref_slice %arg5[%add3A_17] : memref<320000xi32, #tpu.memory_space<hbm>> -> memref<16xi32, #tpu.memory_space<hbm>>
      %dma_start3A_44 = tpu.memref_slice %arg5[%add3A_17] : memref<320000xi32, #tpu.memory_space<hbm>> -> memref<16xi32, #tpu.memory_space<hbm>>
      tpu.enqueue_dma source(%dma_start3A_44 : memref<16xi32, #tpu.memory_space<hbm>>) target(%arg25 : memref<16xi32, #tpu.memory_space<vmem>>) target_semaphore(%run_scoped3A : memref<!tpu.dma_semaphore, #tpu.memory_space<semaphore_mem>>)
      %dma_wait3A_45 = tpu.memref_slice %arg5[%add3A_17] : memref<320000xi32, #tpu.memory_space<hbm>> -> memref<16xi32, #tpu.memory_space<hbm>>
      %dma_wait3A_46 = tpu.memref_slice %arg5[%add3A_17] : memref<320000xi32, #tpu.memory_space<hbm>> -> memref<16xi32, #tpu.memory_space<hbm>>
      tpu.wait_dma2 semaphore(%run_scoped3A : memref<!tpu.dma_semaphore, #tpu.memory_space<semaphore_mem>>) src(%dma_wait3A_46 : memref<16xi32, #tpu.memory_space<hbm>>) dst(%arg25 : memref<16xi32, #tpu.memory_space<vmem>>)
      tpu.yield
    }) : () -> ()
    %dma_start3A = arith.constant 0 : i32
    %dma_start3A_18 = arith.constant 0 : i32
    %dma_start3A_19 = tpu.memref_slice %arg7[%dma_start3A, %dma_start3A_18] : memref<10000x16xf32, #tpu.memory_space<hbm>> -> memref<10000x16xf32, #tpu.memory_space<hbm>>
    tpu.enqueue_indirect_dma source(%dma_start3A_19 : memref<10000x16xf32, #tpu.memory_space<hbm>>) target(%arg26 : memref<16x16xf32, #tpu.memory_space<vmem>>) offsets(%arg22 : memref<16xi32, #tpu.memory_space<vmem>>) semaphore(%arg33 : memref<!tpu.dma_semaphore, #tpu.memory_space<semaphore_mem>>)
    %dma_start3A_20 = arith.constant 0 : i32
    %dma_start3A_21 = arith.constant 0 : i32
    %dma_start3A_22 = tpu.memref_slice %arg6[%dma_start3A_20, %dma_start3A_21] : memref<10000x128xf32, #tpu.memory_space<hbm>> -> memref<10000x128xf32, #tpu.memory_space<hbm>>
    tpu.enqueue_indirect_dma source(%dma_start3A_22 : memref<10000x128xf32, #tpu.memory_space<hbm>>) target(%arg27 : memref<16x128xf32, #tpu.memory_space<vmem>>) offsets(%arg22 : memref<16xi32, #tpu.memory_space<vmem>>) semaphore(%arg33 : memref<!tpu.dma_semaphore, #tpu.memory_space<semaphore_mem>>)
    %dma_wait3A = arith.constant 0 : i32
    %dma_wait3A_23 = arith.constant 0 : i32
    %dma_wait3A_24 = tpu.memref_slice %arg7[%dma_wait3A, %dma_wait3A_23] : memref<10000x16xf32, #tpu.memory_space<hbm>> -> memref<10000x16xf32, #tpu.memory_space<hbm>>
    tpu.wait_indirect_dma semaphore(%arg33 : memref<!tpu.dma_semaphore, #tpu.memory_space<semaphore_mem>>) src(%dma_wait3A_24 : memref<10000x16xf32, #tpu.memory_space<hbm>>) dst(%arg26 : memref<16x16xf32, #tpu.memory_space<vmem>>)
    %dma_wait3A_25 = arith.constant 0 : i32
    %dma_wait3A_26 = arith.constant 0 : i32
    %dma_wait3A_27 = tpu.memref_slice %arg6[%dma_wait3A_25, %dma_wait3A_26] : memref<10000x128xf32, #tpu.memory_space<hbm>> -> memref<10000x128xf32, #tpu.memory_space<hbm>>
    tpu.wait_indirect_dma semaphore(%arg33 : memref<!tpu.dma_semaphore, #tpu.memory_space<semaphore_mem>>) src(%dma_wait3A_27 : memref<10000x128xf32, #tpu.memory_space<hbm>>) dst(%arg27 : memref<16x128xf32, #tpu.memory_space<vmem>>)
    %iota3A = tpu.iota {dimensions = array<i32: 0>} : vector<16xi32>
    %scan3A_28 = arith.constant 0 : i32
    %scan3A_29 = arith.constant 0 : i32
    %scan3A_30 = arith.constant 16 : i32
    %scan3A_31 = arith.addi %scan3A_29, %scan3A_30 : i32
    %scan3A_32 = arith.constant 1 : i32
    %scan3A_33 = scf.for %scan3A_43 = %scan3A_29 to %scan3A_31 step %scan3A_32 iter_args(%scan3A_44 = %scan3A_28) -> (i32)  : i32 {
      %broadcast_in_dim3A = vector.broadcast %scan3A_43 : i32 to vector<16xi32>
      %gather3A = tpu.vector_load_idx %arg23[%broadcast_in_dim3A] : memref<16xi32, #tpu.memory_space<vmem>>[vector<16xi32>], vector<16xi32>,
      %gather3A_45 = tpu.vector_load_idx %arg25[%broadcast_in_dim3A] : memref<16xi32, #tpu.memory_space<vmem>>[vector<16xi32>], vector<16xi32>,
      %get3A_46 = arith.index_cast %scan3A_43 : i32 to index
      %get3A_47 = arith.constant 0 : index
      %get3A_48 = tpu.vector_load %arg26[%get3A_46, %get3A_47] {strides = array<i32>} : memref<16x16xf32, #tpu.memory_space<vmem>>, vector<16xf32>,
      %mul3A_49 = arith.constant 16 : i32
      %mul3A_50 = vector.broadcast %mul3A_49 : i32 to vector<16xi32>
      %mul3A_51 = arith.muli %gather3A, %mul3A_50 : vector<16xi32>
      %add3A_52 = arith.addi %mul3A_51, %iota3A : vector<16xi32>
      %gather3A_53 = tpu.vector_load_idx %arg28[%add3A_52] : memref<368xf32, #tpu.memory_space<vmem>>[vector<16xi32>], vector<16xf32>,
      %mul3A_54 = arith.constant 16 : i32
      %mul3A_55 = vector.broadcast %mul3A_54 : i32 to vector<16xi32>
      %mul3A_56 = arith.muli %gather3A_45, %mul3A_55 : vector<16xi32>
      %add3A_57 = arith.addi %mul3A_56, %iota3A : vector<16xi32>
      %gather3A_58 = tpu.vector_load_idx %arg29[%add3A_57] : memref<8192xf32, #tpu.memory_space<vmem>>[vector<16xi32>], vector<16xf32>,
      %add3A_59 = arith.addf %get3A_48, %gather3A_53 : vector<16xf32>
      %add3A_60 = arith.addf %add3A_59, %gather3A_58 : vector<16xf32>
      %max3A = arith.constant 0.000000e+00 : f32
      %max3A_61 = vector.broadcast %max3A : f32 to vector<16xf32>
      %max3A_62 = arith.maximumf %add3A_60, %max3A_61 : vector<16xf32>
      %mul3A_63 = arith.mulf %max3A_62, %get3A_5 : vector<16xf32>
      %reduce_sum3A = arith.constant true
      %reduce_sum3A_64 = vector.broadcast %reduce_sum3A : i1 to vector<16xi1>
      %reduce_sum3A_65 = tpu.scan <sum>, %mul3A_63 masked %reduce_sum3A_64 : vector<16xf32>, vector<16xi1> -> vector<16xf32>
      %reduce_sum3A_66 = vector.extract %reduce_sum3A_65[15] : f32 from vector<16xf32>
      %broadcast_in_dim3A_67 = vector.broadcast %reduce_sum3A_66 : f32 to vector<16xf32>
      %add3A_68 = arith.addf %get3A_7, %broadcast_in_dim3A_67 : vector<16xf32>
      %neg3A = arith.constant 0.000000e+00 : f32
      %neg3A_69 = vector.broadcast %neg3A : f32 to vector<16xf32>
      %neg3A_70 = arith.subf %neg3A_69, %add3A_68 : vector<16xf32>
      %exp3A = math.exp %neg3A_70 : vector<16xf32>
      %add3A_71 = arith.constant 1.000000e+00 : f32
      %add3A_72 = vector.broadcast %add3A_71 : f32 to vector<16xf32>
      %add3A_73 = arith.addf %add3A_72, %exp3A : vector<16xf32>
      %div3A = arith.constant 1.000000e+00 : f32
      %div3A_74 = vector.broadcast %div3A : f32 to vector<16xf32>
      %div3A_75 = arith.divf %div3A_74, %add3A_73 : vector<16xf32>
      %mul3A_76 = arith.constant 128 : i32
      %mul3A_77 = vector.broadcast %mul3A_76 : i32 to vector<16xi32>
      %mul3A_78 = arith.muli %gather3A, %mul3A_77 : vector<16xi32>
      %add3A_79 = arith.addi %mul3A_78, %iota3A : vector<16xi32>
      %get3A_80 = arith.constant 0 : i32
      %get3A_81 = tpu.memref_slice %arg27[%scan3A_43, %get3A_80] : memref<16x128xf32, #tpu.memory_space<vmem>> -> memref<1x128xf32, #tpu.memory_space<vmem>>
      %get3A_82 = tpu.memref_squeeze %get3A_81 : memref<1x128xf32, #tpu.memory_space<vmem>> -> memref<128xf32, #tpu.memory_space<vmem>>
      %get3A_83 = arith.constant 0 : index
      %get3A_84 = tpu.vector_load %get3A_82[%get3A_83] {strides = array<i32>} : memref<128xf32, #tpu.memory_space<vmem>>, vector<16xf32>,
      %add3A_85 = arith.constant 0 : i32
      %add3A_86 = vector.broadcast %add3A_85 : i32 to vector<16xi32>
      %add3A_87 = arith.addi %add3A_79, %add3A_86 : vector<16xi32>
      %gather3A_88 = tpu.vector_load_idx %arg30[%add3A_87] : memref<2944xf32, #tpu.memory_space<vmem>>[vector<16xi32>], vector<16xf32>,
      %add3A_89 = arith.addf %get3A_84, %gather3A_88 : vector<16xf32>
      %mul3A_90 = arith.mulf %div3A_75, %add3A_89 : vector<16xf32>
      %swap3A = arith.constant 0 : i32
      %swap3A_91 = tpu.memref_slice %arg27[%scan3A_43, %swap3A] : memref<16x128xf32, #tpu.memory_space<vmem>> -> memref<1x128xf32, #tpu.memory_space<vmem>>
      %swap3A_92 = tpu.memref_squeeze %swap3A_91 : memref<1x128xf32, #tpu.memory_space<vmem>> -> memref<128xf32, #tpu.memory_space<vmem>>
      %swap3A_93 = arith.constant 0 : index
      %swap3A_94 = tpu.vector_load %swap3A_92[%swap3A_93] {strides = array<i32>} : memref<128xf32, #tpu.memory_space<vmem>>, vector<16xf32>,
      tpu.vector_store %swap3A_92[%swap3A_93], %mul3A_90 {strides = array<i32>} : memref<128xf32, #tpu.memory_space<vmem>>, vector<16xf32>,
      %get3A_95 = arith.constant 0 : i32
      %get3A_96 = tpu.memref_slice %arg27[%scan3A_43, %get3A_95] : memref<16x128xf32, #tpu.memory_space<vmem>> -> memref<1x128xf32, #tpu.memory_space<vmem>>
      %get3A_97 = tpu.memref_squeeze %get3A_96 : memref<1x128xf32, #tpu.memory_space<vmem>> -> memref<128xf32, #tpu.memory_space<vmem>>
      %get3A_98 = arith.constant 16 : index
      %get3A_99 = tpu.vector_load %get3A_97[%get3A_98] {strides = array<i32>} : memref<128xf32, #tpu.memory_space<vmem>>, vector<16xf32>,
      %add3A_100 = arith.constant 16 : i32
      %add3A_101 = vector.broadcast %add3A_100 : i32 to vector<16xi32>
      %add3A_102 = arith.addi %add3A_79, %add3A_101 : vector<16xi32>
      %gather3A_103 = tpu.vector_load_idx %arg30[%add3A_102] : memref<2944xf32, #tpu.memory_space<vmem>>[vector<16xi32>], vector<16xf32>,
      %add3A_104 = arith.addf %get3A_99, %gather3A_103 : vector<16xf32>
      %mul3A_105 = arith.mulf %div3A_75, %add3A_104 : vector<16xf32>
      %swap3A_106 = arith.constant 0 : i32
      %swap3A_107 = tpu.memref_slice %arg27[%scan3A_43, %swap3A_106] : memref<16x128xf32, #tpu.memory_space<vmem>> -> memref<1x128xf32, #tpu.memory_space<vmem>>
      %swap3A_108 = tpu.memref_squeeze %swap3A_107 : memref<1x128xf32, #tpu.memory_space<vmem>> -> memref<128xf32, #tpu.memory_space<vmem>>
      %swap3A_109 = arith.constant 16 : index
      %swap3A_110 = tpu.vector_load %swap3A_108[%swap3A_109] {strides = array<i32>} : memref<128xf32, #tpu.memory_space<vmem>>, vector<16xf32>,
      tpu.vector_store %swap3A_108[%swap3A_109], %mul3A_105 {strides = array<i32>} : memref<128xf32, #tpu.memory_space<vmem>>, vector<16xf32>,
      %get3A_111 = arith.constant 0 : i32
      %get3A_112 = tpu.memref_slice %arg27[%scan3A_43, %get3A_111] : memref<16x128xf32, #tpu.memory_space<vmem>> -> memref<1x128xf32, #tpu.memory_space<vmem>>
      %get3A_113 = tpu.memref_squeeze %get3A_112 : memref<1x128xf32, #tpu.memory_space<vmem>> -> memref<128xf32, #tpu.memory_space<vmem>>
      %get3A_114 = arith.constant 32 : index
      %get3A_115 = tpu.vector_load %get3A_113[%get3A_114] {strides = array<i32>} : memref<128xf32, #tpu.memory_space<vmem>>, vector<16xf32>,
      %add3A_116 = arith.constant 32 : i32
      %add3A_117 = vector.broadcast %add3A_116 : i32 to vector<16xi32>
      %add3A_118 = arith.addi %add3A_79, %add3A_117 : vector<16xi32>
      %gather3A_119 = tpu.vector_load_idx %arg30[%add3A_118] : memref<2944xf32, #tpu.memory_space<vmem>>[vector<16xi32>], vector<16xf32>,
      %add3A_120 = arith.addf %get3A_115, %gather3A_119 : vector<16xf32>
      %mul3A_121 = arith.mulf %div3A_75, %add3A_120 : vector<16xf32>
      %swap3A_122 = arith.constant 0 : i32
      %swap3A_123 = tpu.memref_slice %arg27[%scan3A_43, %swap3A_122] : memref<16x128xf32, #tpu.memory_space<vmem>> -> memref<1x128xf32, #tpu.memory_space<vmem>>
      %swap3A_124 = tpu.memref_squeeze %swap3A_123 : memref<1x128xf32, #tpu.memory_space<vmem>> -> memref<128xf32, #tpu.memory_space<vmem>>
      %swap3A_125 = arith.constant 32 : index
      %swap3A_126 = tpu.vector_load %swap3A_124[%swap3A_125] {strides = array<i32>} : memref<128xf32, #tpu.memory_space<vmem>>, vector<16xf32>,
      tpu.vector_store %swap3A_124[%swap3A_125], %mul3A_121 {strides = array<i32>} : memref<128xf32, #tpu.memory_space<vmem>>, vector<16xf32>,
      %get3A_127 = arith.constant 0 : i32
      %get3A_128 = tpu.memref_slice %arg27[%scan3A_43, %get3A_127] : memref<16x128xf32, #tpu.memory_space<vmem>> -> memref<1x128xf32, #tpu.memory_space<vmem>>
      %get3A_129 = tpu.memref_squeeze %get3A_128 : memref<1x128xf32, #tpu.memory_space<vmem>> -> memref<128xf32, #tpu.memory_space<vmem>>
      %get3A_130 = arith.constant 48 : index
      %get3A_131 = tpu.vector_load %get3A_129[%get3A_130] {strides = array<i32>} : memref<128xf32, #tpu.memory_space<vmem>>, vector<16xf32>,
      %add3A_132 = arith.constant 48 : i32
      %add3A_133 = vector.broadcast %add3A_132 : i32 to vector<16xi32>
      %add3A_134 = arith.addi %add3A_79, %add3A_133 : vector<16xi32>
      %gather3A_135 = tpu.vector_load_idx %arg30[%add3A_134] : memref<2944xf32, #tpu.memory_space<vmem>>[vector<16xi32>], vector<16xf32>,
      %add3A_136 = arith.addf %get3A_131, %gather3A_135 : vector<16xf32>
      %mul3A_137 = arith.mulf %div3A_75, %add3A_136 : vector<16xf32>
      %swap3A_138 = arith.constant 0 : i32
      %swap3A_139 = tpu.memref_slice %arg27[%scan3A_43, %swap3A_138] : memref<16x128xf32, #tpu.memory_space<vmem>> -> memref<1x128xf32, #tpu.memory_space<vmem>>
      %swap3A_140 = tpu.memref_squeeze %swap3A_139 : memref<1x128xf32, #tpu.memory_space<vmem>> -> memref<128xf32, #tpu.memory_space<vmem>>
      %swap3A_141 = arith.constant 48 : index
      %swap3A_142 = tpu.vector_load %swap3A_140[%swap3A_141] {strides = array<i32>} : memref<128xf32, #tpu.memory_space<vmem>>, vector<16xf32>,
      tpu.vector_store %swap3A_140[%swap3A_141], %mul3A_137 {strides = array<i32>} : memref<128xf32, #tpu.memory_space<vmem>>, vector<16xf32>,
      %get3A_143 = arith.constant 0 : i32
      %get3A_144 = tpu.memref_slice %arg27[%scan3A_43, %get3A_143] : memref<16x128xf32, #tpu.memory_space<vmem>> -> memref<1x128xf32, #tpu.memory_space<vmem>>
      %get3A_145 = tpu.memref_squeeze %get3A_144 : memref<1x128xf32, #tpu.memory_space<vmem>> -> memref<128xf32, #tpu.memory_space<vmem>>
      %get3A_146 = arith.constant 64 : index
      %get3A_147 = tpu.vector_load %get3A_145[%get3A_146] {strides = array<i32>} : memref<128xf32, #tpu.memory_space<vmem>>, vector<16xf32>,
      %add3A_148 = arith.constant 64 : i32
      %add3A_149 = vector.broadcast %add3A_148 : i32 to vector<16xi32>
      %add3A_150 = arith.addi %add3A_79, %add3A_149 : vector<16xi32>
      %gather3A_151 = tpu.vector_load_idx %arg30[%add3A_150] : memref<2944xf32, #tpu.memory_space<vmem>>[vector<16xi32>], vector<16xf32>,
      %add3A_152 = arith.addf %get3A_147, %gather3A_151 : vector<16xf32>
      %mul3A_153 = arith.mulf %div3A_75, %add3A_152 : vector<16xf32>
      %swap3A_154 = arith.constant 0 : i32
      %swap3A_155 = tpu.memref_slice %arg27[%scan3A_43, %swap3A_154] : memref<16x128xf32, #tpu.memory_space<vmem>> -> memref<1x128xf32, #tpu.memory_space<vmem>>
      %swap3A_156 = tpu.memref_squeeze %swap3A_155 : memref<1x128xf32, #tpu.memory_space<vmem>> -> memref<128xf32, #tpu.memory_space<vmem>>
      %swap3A_157 = arith.constant 64 : index
      %swap3A_158 = tpu.vector_load %swap3A_156[%swap3A_157] {strides = array<i32>} : memref<128xf32, #tpu.memory_space<vmem>>, vector<16xf32>,
      tpu.vector_store %swap3A_156[%swap3A_157], %mul3A_153 {strides = array<i32>} : memref<128xf32, #tpu.memory_space<vmem>>, vector<16xf32>,
      %get3A_159 = arith.constant 0 : i32
      %get3A_160 = tpu.memref_slice %arg27[%scan3A_43, %get3A_159] : memref<16x128xf32, #tpu.memory_space<vmem>> -> memref<1x128xf32, #tpu.memory_space<vmem>>
      %get3A_161 = tpu.memref_squeeze %get3A_160 : memref<1x128xf32, #tpu.memory_space<vmem>> -> memref<128xf32, #tpu.memory_space<vmem>>
      %get3A_162 = arith.constant 80 : index
      %get3A_163 = tpu.vector_load %get3A_161[%get3A_162] {strides = array<i32>} : memref<128xf32, #tpu.memory_space<vmem>>, vector<16xf32>,
      %add3A_164 = arith.constant 80 : i32
      %add3A_165 = vector.broadcast %add3A_164 : i32 to vector<16xi32>
      %add3A_166 = arith.addi %add3A_79, %add3A_165 : vector<16xi32>
      %gather3A_167 = tpu.vector_load_idx %arg30[%add3A_166] : memref<2944xf32, #tpu.memory_space<vmem>>[vector<16xi32>], vector<16xf32>,
      %add3A_168 = arith.addf %get3A_163, %gather3A_167 : vector<16xf32>
      %mul3A_169 = arith.mulf %div3A_75, %add3A_168 : vector<16xf32>
      %swap3A_170 = arith.constant 0 : i32
      %swap3A_171 = tpu.memref_slice %arg27[%scan3A_43, %swap3A_170] : memref<16x128xf32, #tpu.memory_space<vmem>> -> memref<1x128xf32, #tpu.memory_space<vmem>>
      %swap3A_172 = tpu.memref_squeeze %swap3A_171 : memref<1x128xf32, #tpu.memory_space<vmem>> -> memref<128xf32, #tpu.memory_space<vmem>>
      %swap3A_173 = arith.constant 80 : index
      %swap3A_174 = tpu.vector_load %swap3A_172[%swap3A_173] {strides = array<i32>} : memref<128xf32, #tpu.memory_space<vmem>>, vector<16xf32>,
      tpu.vector_store %swap3A_172[%swap3A_173], %mul3A_169 {strides = array<i32>} : memref<128xf32, #tpu.memory_space<vmem>>, vector<16xf32>,
      %get3A_175 = arith.constant 0 : i32
      %get3A_176 = tpu.memref_slice %arg27[%scan3A_43, %get3A_175] : memref<16x128xf32, #tpu.memory_space<vmem>> -> memref<1x128xf32, #tpu.memory_space<vmem>>
      %get3A_177 = tpu.memref_squeeze %get3A_176 : memref<1x128xf32, #tpu.memory_space<vmem>> -> memref<128xf32, #tpu.memory_space<vmem>>
      %get3A_178 = arith.constant 96 : index
      %get3A_179 = tpu.vector_load %get3A_177[%get3A_178] {strides = array<i32>} : memref<128xf32, #tpu.memory_space<vmem>>, vector<16xf32>,
      %add3A_180 = arith.constant 96 : i32
      %add3A_181 = vector.broadcast %add3A_180 : i32 to vector<16xi32>
      %add3A_182 = arith.addi %add3A_79, %add3A_181 : vector<16xi32>
      %gather3A_183 = tpu.vector_load_idx %arg30[%add3A_182] : memref<2944xf32, #tpu.memory_space<vmem>>[vector<16xi32>], vector<16xf32>,
      %add3A_184 = arith.addf %get3A_179, %gather3A_183 : vector<16xf32>
      %mul3A_185 = arith.mulf %div3A_75, %add3A_184 : vector<16xf32>
      %swap3A_186 = arith.constant 0 : i32
      %swap3A_187 = tpu.memref_slice %arg27[%scan3A_43, %swap3A_186] : memref<16x128xf32, #tpu.memory_space<vmem>> -> memref<1x128xf32, #tpu.memory_space<vmem>>
      %swap3A_188 = tpu.memref_squeeze %swap3A_187 : memref<1x128xf32, #tpu.memory_space<vmem>> -> memref<128xf32, #tpu.memory_space<vmem>>
      %swap3A_189 = arith.constant 96 : index
      %swap3A_190 = tpu.vector_load %swap3A_188[%swap3A_189] {strides = array<i32>} : memref<128xf32, #tpu.memory_space<vmem>>, vector<16xf32>,
      tpu.vector_store %swap3A_188[%swap3A_189], %mul3A_185 {strides = array<i32>} : memref<128xf32, #tpu.memory_space<vmem>>, vector<16xf32>,
      %get3A_191 = arith.constant 0 : i32
      %get3A_192 = tpu.memref_slice %arg27[%scan3A_43, %get3A_191] : memref<16x128xf32, #tpu.memory_space<vmem>> -> memref<1x128xf32, #tpu.memory_space<vmem>>
      %get3A_193 = tpu.memref_squeeze %get3A_192 : memref<1x128xf32, #tpu.memory_space<vmem>> -> memref<128xf32, #tpu.memory_space<vmem>>
      %get3A_194 = arith.constant 112 : index
      %get3A_195 = tpu.vector_load %get3A_193[%get3A_194] {strides = array<i32>} : memref<128xf32, #tpu.memory_space<vmem>>, vector<16xf32>,
      %add3A_196 = arith.constant 112 : i32
      %add3A_197 = vector.broadcast %add3A_196 : i32 to vector<16xi32>
      %add3A_198 = arith.addi %add3A_79, %add3A_197 : vector<16xi32>
      %gather3A_199 = tpu.vector_load_idx %arg30[%add3A_198] : memref<2944xf32, #tpu.memory_space<vmem>>[vector<16xi32>], vector<16xf32>,
      %add3A_200 = arith.addf %get3A_195, %gather3A_199 : vector<16xf32>
      %mul3A_201 = arith.mulf %div3A_75, %add3A_200 : vector<16xf32>
      %swap3A_202 = arith.constant 0 : i32
      %swap3A_203 = tpu.memref_slice %arg27[%scan3A_43, %swap3A_202] : memref<16x128xf32, #tpu.memory_space<vmem>> -> memref<1x128xf32, #tpu.memory_space<vmem>>
      %swap3A_204 = tpu.memref_squeeze %swap3A_203 : memref<1x128xf32, #tpu.memory_space<vmem>> -> memref<128xf32, #tpu.memory_space<vmem>>
      %swap3A_205 = arith.constant 112 : index
      %swap3A_206 = tpu.vector_load %swap3A_204[%swap3A_205] {strides = array<i32>} : memref<128xf32, #tpu.memory_space<vmem>>, vector<16xf32>,
      tpu.vector_store %swap3A_204[%swap3A_205], %mul3A_201 {strides = array<i32>} : memref<128xf32, #tpu.memory_space<vmem>>, vector<16xf32>,
      %scan3A_207 = arith.constant 0 : i32
      scf.yield %scan3A_207 : i32
    }
    %scan3A_34 = arith.constant 16 : i32
    "tpu.region"() ({
      %run_scoped3A = tpu.sem_alloc : memref<!tpu.dma_semaphore, #tpu.memory_space<semaphore_mem>>
      %dma_start3A_43 = arith.constant 0 : i32
      %dma_start3A_44 = arith.constant 0 : i32
      %dma_start3A_45 = tpu.memref_slice %arg15[%dma_start3A_43, %dma_start3A_44] : memref<10240x128xf32, #tpu.memory_space<vmem_shared>> -> memref<10240x128xf32, #tpu.memory_space<vmem_shared>>
      tpu.enqueue_indirect_dma source(%arg27 : memref<16x128xf32, #tpu.memory_space<vmem>>) target(%dma_start3A_45 : memref<10240x128xf32, #tpu.memory_space<vmem_shared>>) offsets(%arg24 : memref<16xi32, #tpu.memory_space<vmem>>) semaphore(%run_scoped3A : memref<!tpu.dma_semaphore, #tpu.memory_space<semaphore_mem>>) {add = true}
      %dma_wait3A_46 = arith.constant 0 : i32
      %dma_wait3A_47 = arith.constant 0 : i32
      %dma_wait3A_48 = tpu.memref_slice %arg15[%dma_wait3A_46, %dma_wait3A_47] : memref<10240x128xf32, #tpu.memory_space<vmem_shared>> -> memref<10240x128xf32, #tpu.memory_space<vmem_shared>>
      tpu.wait_indirect_dma semaphore(%run_scoped3A : memref<!tpu.dma_semaphore, #tpu.memory_space<semaphore_mem>>) src(%arg27 : memref<16x128xf32, #tpu.memory_space<vmem>>) dst(%dma_wait3A_48 : memref<10240x128xf32, #tpu.memory_space<vmem_shared>>)
      tpu.yield
    }) : () -> ()
    %barrier3A_35 = arith.constant 0 : index
    tpu.barrier barrier_id(%barrier3A_35)
    %mul3A_36 = arith.constant 640 : i32
    %mul3A_37 = arith.muli %arg1, %mul3A_36 : i32
    %mul3A_38 = arith.constant 10240 : i32
    %mul3A_39 = arith.muli %arg0, %mul3A_38 : i32
    %mul3A_40 = arith.constant 640 : i32
    %mul3A_41 = arith.muli %arg1, %mul3A_40 : i32
    %add3A_42 = arith.addi %mul3A_39, %mul3A_41 : i32
    "tpu.region"() ({
      %run_scoped3A = tpu.sem_alloc : memref<!tpu.dma_semaphore, #tpu.memory_space<semaphore_mem>>
      %dma_start3A_43 = arith.constant 0 : i32
      %dma_start3A_44 = tpu.memref_slice %arg14[%add3A_42, %dma_start3A_43] : memref<20480x128xf32, #tpu.memory_space<hbm>> -> memref<640x128xf32, #tpu.memory_space<hbm>>
      %dma_start3A_45 = arith.constant 0 : i32
      %dma_start3A_46 = tpu.memref_slice %arg15[%mul3A_37, %dma_start3A_45] : memref<10240x128xf32, #tpu.memory_space<vmem_shared>> -> memref<640x128xf32, #tpu.memory_space<vmem_shared>>
      tpu.enqueue_dma source(%dma_start3A_46 : memref<640x128xf32, #tpu.memory_space<vmem_shared>>) target(%dma_start3A_44 : memref<640x128xf32, #tpu.memory_space<hbm>>) target_semaphore(%run_scoped3A : memref<!tpu.dma_semaphore, #tpu.memory_space<semaphore_mem>>)
      %dma_wait3A_47 = arith.constant 0 : i32
      %dma_wait3A_48 = tpu.memref_slice %arg14[%add3A_42, %dma_wait3A_47] : memref<20480x128xf32, #tpu.memory_space<hbm>> -> memref<640x128xf32, #tpu.memory_space<hbm>>
      %dma_wait3A_49 = arith.constant 0 : i32
      %dma_wait3A_50 = tpu.memref_slice %arg15[%mul3A_37, %dma_wait3A_49] : memref<10240x128xf32, #tpu.memory_space<vmem_shared>> -> memref<640x128xf32, #tpu.memory_space<vmem_shared>>
      tpu.wait_dma2 semaphore(%run_scoped3A : memref<!tpu.dma_semaphore, #tpu.memory_space<semaphore_mem>>) src(%dma_wait3A_50 : memref<640x128xf32, #tpu.memory_space<vmem_shared>>) dst(%dma_wait3A_48 : memref<640x128xf32, #tpu.memory_space<hbm>>)
      tpu.yield
    }) : () -> ()
    return
  }
}

module attributes {stable_mosaic.version = 14 : i64} {
  func.func @_pre_body(%arg0: memref<10000x128xf32, #tpu.memory_space<vmem>>, %arg1: memref<23x128xf32, #tpu.memory_space<vmem>>, %arg2: memref<512x1xi32, #tpu.memory_space<vmem>>, %arg3: memref<16x128xf32, #tpu.memory_space<vmem>>, %arg4: memref<16x128xf32, #tpu.memory_space<vmem>>, %arg5: memref<16x128xf32, #tpu.memory_space<vmem>>, %arg6: memref<1x16xf32, #tpu.memory_space<vmem>>, %arg7: memref<10000x16xf32, #tpu.memory_space<vmem>>, %arg8: memref<23x16xf32, #tpu.memory_space<vmem>>, %arg9: memref<512x16xf32, #tpu.memory_space<vmem>>) attributes {dimension_semantics = [], scalar_prefetch = 0 : i64, scratch_operands = 0 : i64, tpu.core_type = #tpu.core_type<tc>} {
    %get3A = arith.constant 0 : index
    %get3A_0 = arith.constant 0 : index
    %get3A_1 = vector.load %arg0[%get3A, %get3A_0] : memref<10000x128xf32, #tpu.memory_space<vmem>>, vector<10000x128xf32>
    %get3A_2 = arith.constant 0 : index
    %get3A_3 = arith.constant 0 : index
    %get3A_4 = vector.load %arg3[%get3A_2, %get3A_3] : memref<16x128xf32, #tpu.memory_space<vmem>>, vector<16x128xf32>
    %transpose3A = tpu.transpose %get3A_4, [1, 0] : vector<16x128xf32> -> vector<128x16xf32>
    %dot_general3A = arith.constant dense<0.000000e+00> : vector<10000x16xf32>
    %dot_general3A_5 = tpu.matmul %get3A_1, %transpose3A, %dot_general3A {dimension_numbers = #tpu.dot_dimension_numbers<[1], [0], [0], [1], [0, 0, 1, 1], [], []>, transpose_lhs_hint = false} : vector<10000x128xf32>, vector<128x16xf32>, vector<10000x16xf32> -> vector<10000x16xf32>
    %swap3A = arith.constant 0 : index
    %swap3A_6 = arith.constant 0 : index
    %swap3A_7 = vector.load %arg7[%swap3A, %swap3A_6] : memref<10000x16xf32, #tpu.memory_space<vmem>>, vector<10000x16xf32>
    tpu.vector_store %arg7[%swap3A, %swap3A_6], %dot_general3A_5 {strides = array<i32>} : memref<10000x16xf32, #tpu.memory_space<vmem>>, vector<10000x16xf32>,
    %get3A_8 = arith.constant 0 : index
    %get3A_9 = arith.constant 0 : index
    %get3A_10 = vector.load %arg1[%get3A_8, %get3A_9] : memref<23x128xf32, #tpu.memory_space<vmem>>, vector<23x128xf32>
    %get3A_11 = arith.constant 0 : index
    %get3A_12 = arith.constant 0 : index
    %get3A_13 = vector.load %arg4[%get3A_11, %get3A_12] : memref<16x128xf32, #tpu.memory_space<vmem>>, vector<16x128xf32>
    %transpose3A_14 = tpu.transpose %get3A_13, [1, 0] : vector<16x128xf32> -> vector<128x16xf32>
    %dot_general3A_15 = arith.constant dense<0.000000e+00> : vector<23x16xf32>
    %dot_general3A_16 = tpu.matmul %get3A_10, %transpose3A_14, %dot_general3A_15 {dimension_numbers = #tpu.dot_dimension_numbers<[1], [0], [0], [1], [0, 0, 1, 1], [], []>, transpose_lhs_hint = false} : vector<23x128xf32>, vector<128x16xf32>, vector<23x16xf32> -> vector<23x16xf32>
    %swap3A_17 = arith.constant 0 : index
    %swap3A_18 = arith.constant 0 : index
    %swap3A_19 = vector.load %arg8[%swap3A_17, %swap3A_18] : memref<23x16xf32, #tpu.memory_space<vmem>>, vector<23x16xf32>
    tpu.vector_store %arg8[%swap3A_17, %swap3A_18], %dot_general3A_16 {strides = array<i32>} : memref<23x16xf32, #tpu.memory_space<vmem>>, vector<23x16xf32>,
    %get3A_20 = arith.constant 0 : index
    %get3A_21 = arith.constant 0 : index
    %get3A_22 = vector.load %arg1[%get3A_20, %get3A_21] : memref<23x128xf32, #tpu.memory_space<vmem>>, vector<23x128xf32>
    %get3A_23 = arith.constant 0 : index
    %get3A_24 = arith.constant 0 : index
    %get3A_25 = vector.load %arg5[%get3A_23, %get3A_24] : memref<16x128xf32, #tpu.memory_space<vmem>>, vector<16x128xf32>
    %transpose3A_26 = tpu.transpose %get3A_25, [1, 0] : vector<16x128xf32> -> vector<128x16xf32>
    %dot_general3A_27 = arith.constant dense<0.000000e+00> : vector<23x16xf32>
    %dot_general3A_28 = tpu.matmul %get3A_22, %transpose3A_26, %dot_general3A_27 {dimension_numbers = #tpu.dot_dimension_numbers<[1], [0], [0], [1], [0, 0, 1, 1], [], []>, transpose_lhs_hint = false} : vector<23x128xf32>, vector<128x16xf32>, vector<23x16xf32> -> vector<23x16xf32>
    %iota3A = tpu.iota {dimensions = array<i32: 1>} : vector<512x23xi32>
    %get3A_29 = arith.constant 0 : index
    %get3A_30 = arith.constant 0 : index
    %get3A_31 = vector.load %arg2[%get3A_29, %get3A_30] : memref<512x1xi32, #tpu.memory_space<vmem>>, vector<512x1xi32>
    %eq3A = vector.broadcast %get3A_31 : vector<512x1xi32> to vector<512x23xi32>
    %eq3A_32 = arith.cmpi eq, %iota3A, %eq3A : vector<512x23xi32>
    %convert_element_type3A = arith.extui %eq3A_32 : vector<512x23xi1> to vector<512x23xi32>
    %convert_element_type3A_33 = arith.sitofp %convert_element_type3A : vector<512x23xi32> to vector<512x23xf32>
    %dot_general3A_34 = arith.constant dense<0.000000e+00> : vector<512x16xf32>
    %dot_general3A_35 = tpu.matmul %convert_element_type3A_33, %dot_general3A_28, %dot_general3A_34 {dimension_numbers = #tpu.dot_dimension_numbers<[1], [0], [0], [1], [0, 0, 1, 1], [], []>, transpose_lhs_hint = false} : vector<512x23xf32>, vector<23x16xf32>, vector<512x16xf32> -> vector<512x16xf32>
    %get3A_36 = arith.constant 0 : index
    %get3A_37 = arith.constant 0 : index
    %get3A_38 = vector.load %arg6[%get3A_36, %get3A_37] : memref<1x16xf32, #tpu.memory_space<vmem>>, vector<1x16xf32>
    %add3A = vector.broadcast %get3A_38 : vector<1x16xf32> to vector<512x16xf32>
    %add3A_39 = arith.addf %dot_general3A_35, %add3A : vector<512x16xf32>
    %swap3A_40 = arith.constant 0 : index
    %swap3A_41 = arith.constant 0 : index
    %swap3A_42 = vector.load %arg9[%swap3A_40, %swap3A_41] : memref<512x16xf32, #tpu.memory_space<vmem>>, vector<512x16xf32>
    tpu.vector_store %arg9[%swap3A_40, %swap3A_41], %add3A_39 {strides = array<i32>} : memref<512x16xf32, #tpu.memory_space<vmem>>, vector<512x16xf32>,
    return
  }
}

module attributes {stable_mosaic.version = 14 : i64} {
  func.func @_post_body(%arg0: i32, %arg1: memref<2000x128xf32, #tpu.memory_space<vmem>>, %arg2: memref<2000x128xf32, #tpu.memory_space<vmem>>, %arg3: memref<128x128xf32, #tpu.memory_space<vmem>>, %arg4: memref<2000x128xf32, #tpu.memory_space<vmem>>) attributes {dimension_semantics = [#tpu.dimension_semantics<arbitrary>], iteration_bounds = array<i64: 5>, scalar_prefetch = 0 : i64, scratch_operands = 0 : i64, tpu.core_type = #tpu.core_type<tc>, window_params = [{transform_indices = @transform_0, window_bounds = array<i64: 2000, 128>}, {transform_indices = @transform_1, window_bounds = array<i64: 2000, 128>}, {pipeline_mode = #tpu.pipeline_mode<synchronous>, transform_indices = @transform_2, window_bounds = array<i64: 128, 128>}, {transform_indices = @transform_3, window_bounds = array<i64: 2000, 128>}]} {
    %get3A = arith.constant 0 : index
    %get3A_0 = arith.constant 0 : index
    %get3A_1 = vector.load %arg1[%get3A, %get3A_0] : memref<2000x128xf32, #tpu.memory_space<vmem>>, vector<2000x128xf32>
    %get3A_2 = arith.constant 0 : index
    %get3A_3 = arith.constant 0 : index
    %get3A_4 = vector.load %arg2[%get3A_2, %get3A_3] : memref<2000x128xf32, #tpu.memory_space<vmem>>, vector<2000x128xf32>
    %add3A = arith.addf %get3A_1, %get3A_4 : vector<2000x128xf32>
    %get3A_5 = arith.constant 0 : index
    %get3A_6 = arith.constant 0 : index
    %get3A_7 = vector.load %arg3[%get3A_5, %get3A_6] : memref<128x128xf32, #tpu.memory_space<vmem>>, vector<128x128xf32>
    %transpose3A = tpu.transpose %get3A_7, [1, 0] : vector<128x128xf32> -> vector<128x128xf32>
    %dot_general3A = arith.constant dense<0.000000e+00> : vector<2000x128xf32>
    %dot_general3A_8 = tpu.matmul %add3A, %transpose3A, %dot_general3A {dimension_numbers = #tpu.dot_dimension_numbers<[1], [0], [0], [1], [0, 0, 1, 1], [], []>, transpose_lhs_hint = false} : vector<2000x128xf32>, vector<128x128xf32>, vector<2000x128xf32> -> vector<2000x128xf32>
    %swap3A = arith.constant 0 : index
    %swap3A_9 = arith.constant 0 : index
    %swap3A_10 = vector.load %arg4[%swap3A, %swap3A_9] : memref<2000x128xf32, #tpu.memory_space<vmem>>, vector<2000x128xf32>
    tpu.vector_store %arg4[%swap3A, %swap3A_9], %dot_general3A_8 {strides = array<i32>} : memref<2000x128xf32, #tpu.memory_space<vmem>>, vector<2000x128xf32>,
    return
  }
  func.func @transform_0(%arg0: i32) -> (i32, i32) {
    %c0_i32 = arith.constant 0 : i32
    %c0_i32_0 = arith.constant 0 : i32
    return %arg0, %c0_i32 : i32, i32
  }
  func.func @transform_1(%arg0: i32) -> (i32, i32) {
    %c0_i32 = arith.constant 0 : i32
    %c0_i32_0 = arith.constant 0 : i32
    return %arg0, %c0_i32 : i32, i32
  }
  func.func @transform_2(%arg0: i32) -> (i32, i32) {
    %c0_i32 = arith.constant 0 : i32
    %c0_i32_0 = arith.constant 0 : i32
    %c0_i32_1 = arith.constant 0 : i32
    return %c0_i32, %c0_i32_0 : i32, i32
  }
  func.func @transform_3(%arg0: i32) -> (i32, i32) {
    %c0_i32 = arith.constant 0 : i32
    %c0_i32_0 = arith.constant 0 : i32
    return %arg0, %c0_i32 : i32, i32
  }
}

</mosaic_0001>

<sc_bundles>
// kernel: kernel.5.cloned.1.call-start
scs
__scs_entry_jumppad:
0x0: {  	(pc) =	sbr.rel $0x88, $3  }
0x1: {  	(tag) =	ssettag $0x0;
	lr =	simm.s32 $0x1  }
0x2: {  	[smem:$0x3F96] =	sst lr;
	_ =	strace $0xD0000000  }
0x3: {  	_ = 	snop  }
0x4: {  	_ = 	snop  }
0x5: {  	_ = 	snop  }
0x6: {  	_ = 	snop  }
0x7: {  	_ = 	snop  }
__scs_overlays_trampoline_lowered:
0x8: {  	[smem:$0x3FA5] =	sst s0  }
0x9: {  	[smem:$0x3FA6] =	sst s1  }
0xa: {  	[smem:$0x3FA7] =	sst s2  }
0xb: {  	[smem:$0x3FA8] =	sst s3  }
0xc: {  	[smem:$0x3FA9] =	sst s4  }
0xd: {  	[smem:$0x3FAA] =	sst s5  }
0xe: {  	[smem:$0x3FAB] =	sst s6  }
0xf: {  	[smem:$0x3FAC] =	sst s7  }
0x10: {  	[smem:$0x3FAD] =	sst s8  }
0x11: {  	[smem:$0x3FAE] =	sst s9;
	s0 =	simm.s32 @!p0 $0x0  }
0x12: {  	s1 =	sld [smem:$0x3F94];
	s0 =	simm.s32 @p0 $0x1  }
0x13: {  	[smem:$0x3FAF] =	sst s0;
	s0 =	simm.s32 @!p1 $0x0  }
0x14: {  	s2 =	sld [smem:$0x3F93];
	s0 =	simm.s32 @p1 $0x1  }
0x15: {  	[smem:$0x3FB0] =	sst s0;
	s0 =	simm.s32 @!p2 $0x0  }
0x16: {  	s3 =	sld [smem:$0x3FDB];
	s0 =	simm.s32 @p2 $0x1  }
0x17: {  	s4 =	simm.s32 $0x1BF5;
	[smem:$0x3FB2] =	sst s0  }
0x18: {  	s0 =	sld [smem:$0x3F95];
	_ =	swait.ge [sflag:s4], $0x0  }
0x19: {  	s7 =	sld [smem:$0x3F96]  }
0x1a: {  	s8 =	sadd.s32 $0xFFFFE003, lr  }
0x1b: {  	s9 =	sadd.s32 $0xFFFFFEF7, lr;
	s5 =	simm.s32 $0xFFFFFFFF;
	p2 =	slt.u32 s8, $0xFFFFF086  }
0x1c: {  	p1 =	slt.u32 s9, $0xF7A;
	s5 =	simm.s32 @!p2 $0x0  }
0x1d: {  	s5 =	simm.s32 @p1 $0x1;
	p0 =	seq.s32 s7, s2  }
0x1e: {  	s7 =	smul.u32 @!p0 $0xF7A, s2;
	p2 =	seq.s32 @!p0 s5, $0x0  }
0x1f: {  	s9 =	smul.u32 $0xF7A, s1;
	s8 =	simm.s32 @!p0 $0x1BF5;
	p2 =	por !p2, p0  }
0x20: {  	[sflag:s8] =	ssyncset.s32 @!p0 $0xFFFFF086;
	s6 =	sadd.s32 @!p0 s3, s7;
	s7 =	simm.s32 @!p0 $0x108  }
0x21: {  	s3 =	sadd.s32 s3, s9;
	s6 =	sadd.s32 @!p0 $0x88, s6;
	s7 =	simm.s32 @p2 $0x1082  }
0x22: {  	[simem:s7], [sflag:s8] =	dma.local @!p0 [hbm:s6], $0xF7A  }
0x23: {  	s9 =	sor.u32 $0xD0000000, s2;
	s6 =	simm.s32 $0x108;
	_ =	swait.ge @!p0 [sflag:s8], $0x0  }
0x24: {  	s3 =	sadd.s32 $0x88, s3;
	s6 =	simm.s32 @!p1 $0x1082;
	[sflag:s4] =	ssyncset.s32 $0xFFFFF086  }
0x25: {  	[simem:s6], [sflag:s4] =	dma.local [hbm:s3], $0xF7A  }
0x26: {  	[smem:$0x3F96] =	sst s1;
	(tag) =	ssettag s2;
	_ =	strace s9  }
0x27: {  	s1 =	sld [smem:$0x3FA6]  }
0x28: {  	s2 =	sld [smem:$0x3FA7]  }
0x29: {  	s4 =	sld [smem:$0x3FA9]  }
0x2a: {  	p0 =	seq.s32 s5, $0x0;
	s5 =	sld [smem:$0x3FAA]  }
0x2b: {  	s6 =	sld [smem:$0x3FAB]  }
0x2c: {  	s7 =	sld [smem:$0x3FAC]  }
0x2d: {  	s3 =	simm.s32 $0x108;
	s8 =	sld [smem:$0x3FAD]  }
0x2e: {  	s3 =	simm.s32 @!p0 $0x1082;
	s9 =	sld [smem:$0x3FAE]  }
0x2f: {  	lr =	sadd.s32 s0, s3;
	s0 =	sld [smem:$0x3FA5]  }
0x30: {  	s3 =	sld [smem:$0x3FA8]  }
0x31: {  	[smem:$0x3FB1] =	sst s10  }
0x32: {  	s10 =	sld [smem:$0x3FAF];
	_ =	sdelay $0x3  }
0x33: {  	p0 =	seq.s32 s10, $0x1;
	s10 =	sld [smem:$0x3FB1];
	_ =	sdelay $0x3  }
0x34: {  	[smem:$0x3FB1] =	sst s10  }
0x35: {  	s10 =	sld [smem:$0x3FB0];
	_ =	sdelay $0x3  }
0x36: {  	p1 =	seq.s32 s10, $0x1;
	s10 =	sld [smem:$0x3FB1];
	_ =	sdelay $0x3  }
0x37: {  	[smem:$0x3FB1] =	sst s10  }
0x38: {  	s10 =	sld [smem:$0x3FB2]  }
0x39: {  	_ = 	snop;
	(pc) =	sbr.ind lr, $3  }
0x3a: {  	_ = 	snop  }
0x3b: {  	_ = 	snop  }
0x3c: {  	p2 =	seq.s32 s10, $0x1;
	s10 =	sld [smem:$0x3FB1]  }
0x3d: {  	_ =	shalt  }
0x3e: {  	_ =	shalt  }
0x3f: {  	_ =	shalt  }
0x40: {  	_ =	shalt  }
0x41: {  	_ =	shalt  }
0x42: {  	_ =	shalt  }
0x43: {  	_ =	shalt  }
0x44: {  	_ =	shalt  }
0x45: {  	_ =	shalt  }
0x46: {  	_ =	shalt  }
0x47: {  	_ =	shalt  }
0x48: {  	_ =	shalt  }
0x49: {  	_ =	shalt  }
0x4a: {  	_ =	shalt  }
0x4b: {  	_ =	shalt  }
0x4c: {  	_ =	shalt  }
0x4d: {  	_ =	shalt  }
0x4e: {  	_ =	shalt  }
0x4f: {  	_ =	shalt  }
0x50: {  	_ =	shalt  }
0x51: {  	_ =	shalt  }
0x52: {  	_ =	shalt  }
0x53: {  	_ =	shalt  }
0x54: {  	_ =	shalt  }
0x55: {  	_ =	shalt  }
0x56: {  	_ =	shalt  }
0x57: {  	_ =	shalt  }
0x58: {  	_ =	shalt  }
0x59: {  	_ =	shalt  }
0x5a: {  	_ =	shalt  }
0x5b: {  	_ =	shalt  }
0x5c: {  	_ =	shalt  }
0x5d: {  	_ =	shalt  }
0x5e: {  	_ =	shalt  }
0x5f: {  	_ =	shalt  }
0x60: {  	_ =	shalt  }
0x61: {  	_ =	shalt  }
0x62: {  	_ =	shalt  }
0x63: {  	_ =	shalt  }
0x64: {  	_ =	shalt  }
0x65: {  	_ =	shalt  }
0x66: {  	_ =	shalt  }
0x67: {  	_ =	shalt  }
0x68: {  	_ =	shalt  }
0x69: {  	_ =	shalt  }
0x6a: {  	_ =	shalt  }
0x6b: {  	_ =	shalt  }
0x6c: {  	_ =	shalt  }
0x6d: {  	_ =	shalt  }
0x6e: {  	_ =	shalt  }
0x6f: {  	_ =	shalt  }
0x70: {  	_ =	shalt  }
0x71: {  	_ =	shalt  }
0x72: {  	_ =	shalt  }
0x73: {  	_ =	shalt  }
0x74: {  	_ =	shalt  }
0x75: {  	_ =	shalt  }
0x76: {  	_ =	shalt  }
0x77: {  	_ =	shalt  }
0x78: {  	_ =	shalt  }
0x79: {  	_ =	shalt  }
0x7a: {  	_ =	shalt  }
0x7b: {  	_ =	shalt  }
0x7c: {  	_ =	shalt  }
0x7d: {  	_ =	shalt  }
0x7e: {  	_ =	shalt  }
0x7f: {  	_ =	shalt  }
0x80: {  	_ =	shalt  }
0x81: {  	_ =	shalt  }
0x82: {  	_ =	shalt  }
0x83: {  	_ =	shalt  }
0x84: {  	_ =	shalt  }
0x85: {  	_ =	shalt  }
0x86: {  	_ =	shalt  }
0x87: {  	_ =	shalt  }
.Lfunc_end0:
.L_simem_size_0:
called_computation_lowered:
.L_overlay_start_0:
0x88: {  	s2 =	sld [smem:$0x3FD9]  }
0x89: {  	s3 =	sld [smem:$0x3FFE];
	_ =	sdelay $0x1  }
0x8a: {  	s1 =	srdreg.scid  }
0x8b: {  	s0 =	sand.u32 $0x1, s1  }
0x8c: {  	s17 =	sshll.u32 s0, $0xA;
	s2 =	sadd.s32 s3, s2  }
0x8d: {  	s2 =	sadd.s32 s2, s17  }
0x8e: {  	[smem:$0x3FBD] =	sst s2  }
0x8f: {  	_ = 	snop  }
0x90: {  	s2 =	sld [smem:$0x3FC8]  }
0x91: {  	s18 =	sld [smem:$0x3FC6]  }
0x92: {  	s4 =	sld [smem:$0x3FC1]  }
0x93: {  	s5 =	sld [smem:$0x3FD0];
	(tm) =	ssettm $0x1  }
0x94: {  	s6 =	sld [smem:$0x3FFB];
	_ =	sdelay $0x3  }
0x95: {  	_ =	strace s6  }
0x96: {  	s6 =	sld [smem:$0x3FFC];
	_ =	sdelay $0x3  }
0x97: {  	_ =	strace s6  }
0x98: {  	s6 =	sld [smem:$0x3FFD];
	_ =	sdelay $0x3  }
0x99: {  	_ =	strace s6  }
0x9a: {  	_ =	strace $0x8FFFFFFF  }
0x9b: {  	s19 =	sld [smem:$0x3FDB];
	_ =	sdelay $0x1  }
0x9c: {  	s7 =	simm.s32 $_scs_section_size  }
0x9d: {  	s8 =	simm.s32 $_size__tile_overlayer_lowered;
	s9 =	simm.s32 $_tile_overlayer_lowered  }
0x9e: {  	s22 =	simm.s32 $0x1BFF;
	s21 =	sshll.u32 s9, $0x1;
	s6 =	sadd.s32 s7, s19  }
0x9f: {  	s10 =	simm.s32 $0x0;
	s20 =	sshll.u32 s8, $0x1;
	s8 =	sadd.s32 s21, s6  }
0xa0: {  	[timem:s10], [sflag:s22] =	dma.local [hbm:s8], s20  }
0xa1: {  	_ =	swait.ge [sflag:s22], s20  }
0xa2: {  	s7 =	ssub.s32 $0x0, s20;
	[sflag:s22] =	ssyncset.done $0x0  }
0xa3: {  	[sflag:s22] =	ssyncadd.s32 s7;
	_ =	sdelay $0x1  }
0xa4: {  	s23 =	simm.s32 $0x1B8B  }
0xa5: {  	_ =	swait.ge [sflag:s23], $0x1  }
0xa6: {  	[sflag:s23] =	ssyncset.done $0x0  }
0xa7: {  	s25 =	simm.s32 $0x1B8E;
	s24 =	sld [smem:$0x3FFE];
	[sflag:s23] =	ssyncadd.s32 $0xFFFFFFFF  }
0xa8: {  	s26 =	simm.s32 $execute0_lowered;
	[smem:$0x3FD2] =	sst s25  }
0xa9: {  	s8 =	sshll.u32 s26, $0x1;
	_ =	strace $0x80000046;
	[dreg:$0x1] =	wrdreg $0xFFFFFFFF  }
0xaa: {  	s28 =	simm.s32 $_size_execute0_lowered;
	s6 =	sadd.s32 s6, s8;
	[dreg:$0x0] =	wrdreg $0x0  }
0xab: {  	s8 =	sshll.u32 s28, $0x1;
	[dreg:$0x2] =	wrdreg s6  }
0xac: {  	[dreg:$0x3] =	wrdreg s8  }
0xad: {  	[dreg:$0x4] =	wrdreg $0xC0  }
0xae: {  	_ =	task [dreg:s10], $0x5FFFF  }
0xaf: {  	[dreg:$0x1] =	wrdreg $0xFFFFFFFF  }
0xb0: {  	[dreg:$0x0] =	wrdreg $0x60  }
0xb1: {  	[dreg:$0x2] =	wrdreg s24  }
0xb2: {  	[dreg:$0x3] =	wrdreg s5  }
0xb3: {  	[dreg:$0x4] =	wrdreg s2  }
0xb4: {  	[dreg:$0x5] =	wrdreg s18  }
0xb5: {  	[dreg:$0x6] =	wrdreg s4  }
0xb6: {  	[dreg:$0x7] =	wrdreg $0x0  }
0xb7: {  	[dreg:$0x8] =	wrdreg $0x9  }
0xb8: {  	_ =	task.clear_ibuf [dreg:s10], $0x9FFFF;
	_ =	strace $0x90000046  }
0xb9: {  	s29 =	simm.s32 $0x9;
	_ =	strace $0x80000048  }
0xba: {  	_ =	swait.ge [sflag:s29], $0x1  }
0xbb: {  	[sflag:s29] =	ssyncadd.s32 $0xFFFFFFFF  }
0xbc: {  	_ =	strace $0x90000048  }
0xbd: {  	_ =	sfence  }
0xbe: {  	s30 =	sld [smem:$0x0];
	_ =	sdelay $0x2  }
0xbf: {  	s31 =	sshll.u32 s1, $0xD;
	s1 =	sshrl.u32 s1, $0x2  }
0xc0: {  	s3 =	sand.u32 $0x4000, s31;
	s1 =	sadd.s32 s1, s30  }
0xc1: {  	s0 =	sor.u32 s3, s0;
	s1 =	sshll.u32 s1, $0x11  }
0xc2: {  	s0 =	sor.u32 s1, s0  }
0xc3: {  	s0 =	sadd.s32 $0x8F2B, s0  }
0xc4: {  	[sflag:s0] =	ssyncadd.remote.s32 $0x1  }
0xc5: {  	_ =	sfence.sel $0xFFFF  }
0xc6: {  	[dreg:$0x0] =	wrdreg $0xFFFFFFFF;
	(pc) =	sbr.abs _section_cstart, $3  }
0xc7: {  	[dreg:$0x1] =	wrdreg $0xFFFFFFFF  }
0xc8: {  	_ =	task.clear_ibuf [dreg:s10], $0x2FFFF;
	_ =	strace $0x9FFFFFFF  }
0xc9: {  	(tm) =	ssettm $0x7FFFFFFF  }
tec
execute0_lowered:
.L_overlay_start_1:
0x0: {  	(tag) =	ssettag $0x1  }
0x1: {  	s0 =	rddreg [dreg:$0x0]  }
0x2: {  	s1 =	rddreg [dreg:$0x1]  }
0x3: {  	s2 =	rddreg [dreg:$0x2]  }
0x4: {  	s5 =	rddreg [dreg:$0x5];
	s6 =	simm.s32 $0x0;
	s16 =	stileid.u32  }
0x5: {  	s4 =	srdreg.scid;
	s28 =	simm.s32 $0x194B0;
	s29 =	simm.s32 $0x1B4B0  }
0x6: {  	s30 =	simm.s32 $0x80;
	s31 =	simm.s32 $0x14A00;
	[smem:$0x7FF] =	sst s6  }
0x7: {  	s8 =	sadd.s32 $0x14600, s0;
	s9 =	sadd.s32 $0xA800, s0;
	s10 =	sadd.s32 $0xA00, s0  }
0x8: {  	s11 =	sadd.s32 $0x1E400, s0;
	s3 =	sadd.s32 $0x23400, s0;
	s26 =	smul.u32 $0x14000, s16  }
0x9: {  	s7 =	sadd.s32 $0x23600, s0;
	_ =	strace $0x80000047;
	[dreg:$0x7] =	wrdreg s3  }
0xa: {  	s4 =	sand.u32 $0x1, s4;
	s12 =	sadd.s32 $0x23A00, s0;
	[dreg:$0x8] =	wrdreg s7  }
0xb: {  	s17 =	smul.u32 $0x2800, s16;
	s21 =	sshll.u32 s16, $0x6;
	[dreg:$0x9] =	wrdreg s12  }
0xc: {  	s18 =	smul.u32 $0x28000, s4;
	s13 =	sshll.u32 s4, $0x4;
	s4 =	ssub.s32 $0x2, s4  }
0xd: {  	s14 =	sshrl.u32 s26, $0x3;
	s13 =	sor.u32 s16, s13;
	s19 =	sshrl.u32 s4, $0x1  }
0xe: {  	s3 =	sadd.s32 s26, s5;
	s16 =	sor.u32 $0x1C02, s21;
	s21 =	simm.s32 $0x0  }
0xf: {  	s7 =	sadd.s32 s17, s18;
	s15 =	smul.u32 $0x2710, s13;
	s20 =	sadd.s32 s14, s0  }
0x10: {  	s4 =	ssub.s32 s4, s19;
	s17 =	sshrl.u32 s3, $0x3;
	s3 =	simm.s32 $0x14100  }
0x11: {  	[dreg:$0x11] =	wrdreg s16;
	s0 =	sadd.s32 s7, s0;
	s13 =	sadd.s32 $0x23C00, s20  }
0x12: {  	s26 =	smax.u32 s4, $0x1;
	s22 =	sshrl.u32 s15, $0x3;
	[dreg:$0xa] =	wrdreg s13  }
0x13: {  	s0 =	sadd.s32 $0x4BC00, s0;
	[dreg:$0x10] =	wrdreg s26;
	s23 =	sadd.s32 $0x4E0, s22  }
0x14: {  	s14 =	simm.s32 $0x18A10;
	[dreg:$0xf] =	wrdreg s0;
	s12 =	sadd.s32 s8, s23  }
0x15: {  	s18 =	simm.s32 $0x18A30;
	s24 =	sadd.s32 s9, s23;
	[dreg:$0xb] =	wrdreg s12  }
0x16: {  	v0 =	vlaneseq.u32;
	s4 =	simm.s32 $0x14180;
	s25 =	sadd.s32 s10, s23;
	[dreg:$0xc] =	wrdreg s24  }
0x17: {  	v1 =	vor.u32 $0x10, v0;
	s26 =	simm.s32 $0x19340;
	s7 =	sadd.s32 s1, s23;
	[dreg:$0xd] =	wrdreg s25  }
0x18: {  	v2 =	vor.u32 $0x20, v0;
	v3 =	vor.u32 $0x30, v0;
	v4 =	vor.u32 $0x40, v0;
	s0 =	simm.s32 $0x14000;
	[dreg:$0xe] =	wrdreg s7;
	s25 =	simm.s32 $0x2  }
0x19: {  	v5 =	vor.u32 $0x50, v0;
	v6 =	vor.u32 $0x60, v0;
	v7 =	vor.u32 $0x70, v0;
	s7 =	simm.s32 $0x14080;
	s12 =	simm.s32 $0x1;
	s24 =	simm.s32 $0x10  }
.LBB2_1:
0x1a: {  	s13 =	rddreg [dreg:$0xa]  }
0x1b: {  	[spmem:s17], [sflag:s16] =	dma.local [hbm:s13], $0x2800  }
0x1c: {  	_ =	swait.ge [sflag:s25], $0x2800  }
0x1d: {  	[sflag:s25] =	ssyncset.done $0x0  }
0x1e: {  	s22 =	rddreg [dreg:$0x7];
	[sflag:s25] =	ssyncadd.s32 $0xFFFFD800  }
0x1f: {  	[tilespmem:s26], [sflag:$0x2] =	stream.linear.gather [hbm4b:s22+s6], $0x170, $0x38;
	[tilespmem:$0x1C050] =	vst v63  }
0x20: {  	_ =	swait.ge [sflag:s25], $0x170  }
0x21: {  	[sflag:s25] =	ssyncset.done $0x0  }
0x22: {  	s23 =	rddreg [dreg:$0x8];
	[sflag:s25] =	ssyncadd.s32 $0xFFFFFE90  }
0x23: {  	[tilespmem:s28], [sflag:$0x2] =	stream.linear.gather [hbm4b:s23+s6], $0x2000, $0x38;
	[tilespmem:$0x1C050] =	vst v63  }
0x24: {  	_ =	swait.ge [sflag:s25], $0x2000  }
0x25: {  	[sflag:s25] =	ssyncset.done $0x0  }
0x26: {  	[sflag:s25] =	ssyncadd.s32 $0xFFFFE000  }
0x27: {  	s16 =	rddreg [dreg:$0x3]  }
0x28: {  	[tilespmem:s29], [sflag:$0x2] =	stream.linear.gather [hbm4b:s16+s6], $0xB80, $0x38;
	[tilespmem:$0x1C050] =	vst v63  }
0x29: {  	_ =	swait.ge [sflag:s25], $0xB80  }
0x2a: {  	[sflag:s25] =	ssyncset.done $0x0  }
0x2b: {  	[sflag:s25] =	ssyncadd.s32 $0xFFFFF480  }
0x2c: {  	s20 =	simm.s32 $0x1C030;
	s19 =	rddreg [dreg:$0x4]  }
0x2d: {  	[tilespmem:s20], [sflag:$0x2] =	stream.linear.gather [hbm4b:s19+s6], $0x10, $0x38;
	[tilespmem:$0x1C050] =	vst v63  }
0x2e: {  	_ =	swait.ge [sflag:s25], $0x10  }
0x2f: {  	[sflag:s25] =	ssyncset.done $0x0  }
0x30: {  	s23 =	simm.s32 $0x1C040;
	s22 =	rddreg [dreg:$0x9];
	[sflag:s25] =	ssyncadd.s32 $0xFFFFFFF0  }
0x31: {  	[tilespmem:s23], [sflag:$0x2] =	stream.linear.gather [hbm4b:s22+s6], $0x10, $0x38;
	[tilespmem:$0x1C050] =	vst v63  }
0x32: {  	_ =	swait.ge [sflag:s25], $0x10  }
0x33: {  	[sflag:s25] =	ssyncset.done $0x0  }
0x34: {  	[sflag:s25] =	ssyncadd.s32 $0xFFFFFFF0  }
0x35: {  	[bflag:$0x0] =	sbarrier.arrive $0xFFFF  }
0x36: {  	v9 =	vld [tilespmem:$0x1C030]  }
0x37: {  	s22 =	simm.s32 $0x0;
	v8 =	vld [tilespmem:$0x1C040]  }
.LBB2_2:
0x38: {  	s13 =	sshll.u32 s22, $0x7  }
0x39: {  	s13 =	sadd.s32 s15, s13  }
0x3a: {  	s13 =	sshrl.u32 s13, $0x3  }
0x3b: {  	s19 =	simm.s32 $0x0;
	s16 =	sadd.s32 s8, s13  }
0x3c: {  	[tilespmem:s0], [sflag:$0x2] =	stream.linear.gather [hbm4b:s16+s19], $0x80, $0x38;
	[tilespmem:$0x1C050] =	vst v63  }
0x3d: {  	_ =	swait.ge [sflag:s25], $0x80  }
0x3e: {  	[sflag:s25] =	ssyncset.done $0x0  }
0x3f: {  	s20 =	sadd.s32 s9, s13;
	[sflag:s25] =	ssyncadd.s32 $0xFFFFFF80  }
0x40: {  	[tilespmem:s7], [sflag:$0x2] =	stream.linear.gather [hbm4b:s20+s19], $0x80, $0x38;
	[tilespmem:$0x1C050] =	vst v63  }
0x41: {  	_ =	swait.ge [sflag:s25], $0x80  }
0x42: {  	[sflag:s25] =	ssyncset.done $0x0  }
0x43: {  	s23 =	sadd.s32 s10, s13;
	[sflag:s25] =	ssyncadd.s32 $0xFFFFFF80  }
0x44: {  	[tilespmem:s3], [sflag:$0x2] =	stream.linear.gather [hbm4b:s23+s19], $0x80, $0x38;
	[tilespmem:$0x1C050] =	vst v63  }
0x45: {  	_ =	swait.ge [sflag:s25], $0x80  }
0x46: {  	[sflag:s25] =	ssyncset.done $0x0  }
0x47: {  	s13 =	sadd.s32 s1, s13;
	[sflag:s25] =	ssyncadd.s32 $0xFFFFFF80  }
0x48: {  	[tilespmem:s4], [sflag:$0x2] =	stream.linear.gather [hbm4b:s13+s19], $0x80, $0x38;
	[tilespmem:$0x1C050] =	vst v63  }
0x49: {  	_ =	swait.ge [sflag:s25], $0x80  }
0x4a: {  	[sflag:s25] =	ssyncset.done $0x0  }
0x4b: {  	s23 =	simm.s32 $0x14200;
	[sflag:s25] =	ssyncadd.s32 $0xFFFFFF80  }
0x4c: {  	[tilespmem:s23], [sflag:$0x1] =	stream.indirect.gather [hbm4b:s11+s30], $0x10, s0, s30, $0xb8;
	[tilespmem:$0x1C050] =	vst v63  }
0x4d: {  	_ = 	snop  }
0x4e: {  	[tilespmem:s31], [sflag:$0x1] =	stream.indirect.gather [hbm4b:s2+s30], $0x80, s0, s30, $0xb8;
	[tilespmem:$0x1C050] =	vst v63  }
0x4f: {  	_ =	swait.ge [sflag:s12], $0x800  }
0x50: {  	v10 =	vmov s19;
	[sflag:s12] =	ssyncset.done $0x0  }
0x51: {  	[sflag:s12] =	ssyncadd.s32 $0xFFFFF800  }
0x52: {  	_ =	swait.ge [sflag:s12], $0x4000  }
0x53: {  	[sflag:s12] =	ssyncset.done $0x0  }
0x54: {  	[sflag:s12] =	ssyncadd.s32 $0xFFFFC000  }
0x55: {  	v11 =	vld.idx.msk [tilespmem:v10+s7+$0x0], $0xffff;
	_ =	sdelay $0x1  }
0x56: {  	v10 =	vld.idx.msk [tilespmem:v10+s4+$0x0], $0xffff;
	_ =	sdelay $0x2  }
0x57: {  	v12 =	vshll.u32 v11, $0x4  }
0x58: {  	v12 =	vor.u32 v0, v12  }
0x59: {  	v10 =	vshll.u32 v10, $0x4  }
0x5a: {  	v10 =	vor.u32 v0, v10;
	_ =	sdelay $0x1  }
0x5b: {  	v13 =	vld [tilespmem:s23+$0x0]  }
0x5c: {  	v12 =	vld.idx.msk [tilespmem:v12+s26+$0x0], $0xffff;
	_ =	sdelay $0x1  }
0x5d: {  	v10 =	vld.idx.msk [tilespmem:v10+s28+$0x0], $0xffff;
	_ =	sdelay $0x2  }
0x5e: {  	v12 =	vadd.f32 v12, v13;
	_ =	sdelay $0x1  }
0x5f: {  	v10 =	vadd.f32 v10, v12;
	_ =	sdelay $0x1  }
0x60: {  	v10 =	vmax.f32 v10, $0.0e+00  }
0x61: {  	v10 =	vmul.f32 v10, v9;
	_ =	sdelay $0x1  }
0x62: {  	(xrf2) =	vadd.scan.msk.f32 $0xffff, v10;
	_ =	sdelay $0x9  }
0x63: {  	v10, _, _ =	vpop (xrf2)  }
0x64: {  	v10 =	vbroadcast v10, $0xF;
	_ =	sdelay $0x1  }
0x65: {  	v10 =	vadd.f32 v10, v8;
	_ =	sdelay $0x1  }
0x66: {  	v10 =	vsub.f32 $0.0e+00, v10;
	_ =	sdelay $0x1  }
0x67: {  	v10 =	vmul.f32 $1.442695020e+00, v10;
	_ =	sdelay $0x1  }
0x68: {  	(erf) = vpow2.f32 v10;
	_ =	sdelay $0x8  }
0x69: {  	v10 =	vshll.u32 v11, $0x7;
	v49 =	vpop (erf)  }
0x6a: {  	v11 =	vor.u32 v0, v10;
	v12 =	vadd.f32 $1.000000000e+00, v49;
	_ =	sdelay $0x1  }
0x6b: {  	(erf) = vrcp.f32 v12  }
0x6c: {  	s16 =	simm.s32 $0x14A40  }
0x6d: {  	v50 =	vld [tilespmem:s16+$0xFFFFFFC0]  }
0x6e: {  	v11 =	vld.idx.msk [tilespmem:v11+s29+$0x0], $0xffff;
	_ =	sdelay $0x4  }
0x6f: {  	v51 =	vor.u32 v1, v10;
	v11 =	vadd.f32 v11, v50  }
0x70: {  	v52 =	vpop (erf)  }
0x71: {  	v11 =	vmul.f32 v52, v11;
	_ =	sdelay $0x1  }
0x72: {  	v53 =	vld [tilespmem:s16+$0xFFFFFFD0];
	[tilespmem:s16+$0xFFFFFFC0] =	vst v11  }
0x73: {  	v11 =	vld.idx.msk [tilespmem:v51+s29+$0x0], $0xffff;
	_ =	sdelay $0x4  }
0x74: {  	v54 =	vor.u32 v2, v10;
	v11 =	vadd.f32 v11, v53;
	_ =	sdelay $0x1  }
0x75: {  	v11 =	vmul.f32 v52, v11;
	_ =	sdelay $0x1  }
0x76: {  	v55 =	vld [tilespmem:s16+$0xFFFFFFE0];
	[tilespmem:s16+$0xFFFFFFD0] =	vst v11  }
0x77: {  	v11 =	vld.idx.msk [tilespmem:v54+s29+$0x0], $0xffff;
	_ =	sdelay $0x4  }
0x78: {  	v56 =	vor.u32 v3, v10;
	v11 =	vadd.f32 v11, v55;
	_ =	sdelay $0x1  }
0x79: {  	v11 =	vmul.f32 v52, v11;
	_ =	sdelay $0x1  }
0x7a: {  	v57 =	vld [tilespmem:s16+$0xFFFFFFF0];
	[tilespmem:s16+$0xFFFFFFE0] =	vst v11  }
0x7b: {  	v11 =	vld.idx.msk [tilespmem:v56+s29+$0x0], $0xffff;
	_ =	sdelay $0x4  }
0x7c: {  	v58 =	vor.u32 v4, v10;
	v11 =	vadd.f32 v11, v57;
	_ =	sdelay $0x1  }
0x7d: {  	v11 =	vmul.f32 v11, v52;
	_ =	sdelay $0x1  }
0x7e: {  	v59 =	vld [tilespmem:s16+$0x0];
	[tilespmem:s16+$0xFFFFFFF0] =	vst v11  }
0x7f: {  	v11 =	vld.idx.msk [tilespmem:v58+s29+$0x0], $0xffff;
	_ =	sdelay $0x4  }
0x80: {  	v60 =	vor.u32 v5, v10;
	v11 =	vadd.f32 v11, v59;
	_ =	sdelay $0x1  }
0x81: {  	v11 =	vmul.f32 v11, v52;
	_ =	sdelay $0x1  }
0x82: {  	v61 =	vld [tilespmem:s16+$0x10];
	[tilespmem:s16+$0x0] =	vst v11  }
0x83: {  	v11 =	vld.idx.msk [tilespmem:v60+s29+$0x0], $0xffff;
	_ =	sdelay $0x4  }
0x84: {  	v62 =	vor.u32 v6, v10;
	v11 =	vadd.f32 v11, v61;
	_ =	sdelay $0x1  }
0x85: {  	v11 =	vmul.f32 v11, v52;
	_ =	sdelay $0x1  }
0x86: {  	v63 =	vld [tilespmem:s16+$0x20];
	[tilespmem:s16+$0x10] =	vst v11  }
0x87: {  	v11 =	vld.idx.msk [tilespmem:v62+s29+$0x0], $0xffff;
	_ =	sdelay $0x4  }
0x88: {  	v10 =	vor.u32 v7, v10;
	v11 =	vadd.f32 v11, v63;
	_ =	sdelay $0x1  }
0x89: {  	v11 =	vmul.f32 v11, v52;
	_ =	sdelay $0x1  }
0x8a: {  	[tilespmem:s16+$0x20] =	vst v11;
	v11 =	vld [tilespmem:s16+$0x30]  }
0x8b: {  	v10 =	vld.idx.msk [tilespmem:v10+s29+$0x0], $0xffff;
	_ =	sdelay $0x3  }
0x8c: {  	s19 =	simm.s32 $0x1  }
0x8d: {  	v11 =	vadd.f32 v10, v11;
	v10 =	vmov s19;
	_ =	sdelay $0x1  }
0x8e: {  	s20 =	simm.s32 $0x2;
	v11 =	vmul.f32 v11, v52  }
.LBB2_3:
0x8f: {  	s23 =	sadd.s32 $0x10, s23  }
0x90: {  	s13 =	smov.u32 s20;
	s19 =	sadd.s32 $0x1, s20;
	[tilespmem:s16+$0x30] =	vst v11;
	s16 =	sadd.s32 $0x80, s16  }
0x91: {  	p0 =	sne.s32 s20, $0x7F;
	v11 =	vld.idx.msk [tilespmem:v10+s7+$0x0], $0xffff;
	_ =	sdelay $0x1  }
0x92: {  	v12 =	vld.idx.msk [tilespmem:v10+s4+$0x0], $0xffff;
	_ =	sdelay $0x3  }
0x93: {  	v13 =	vshll.u32 v11, $0x4;
	v10 =	vshll.u32 v11, $0x7  }
0x94: {  	v11 =	vor.u32 v0, v13;
	v13 =	vor.u32 v0, v10  }
0x95: {  	v12 =	vshll.u32 v12, $0x4  }
0x96: {  	v12 =	vor.u32 v0, v12;
	_ =	sdelay $0x2  }
0x97: {  	v11 =	vld.idx.msk [tilespmem:v11+s26+$0x0], $0xffff  }
0x98: {  	v14 =	vld [tilespmem:s23+$0x0]  }
0x99: {  	v12 =	vld.idx.msk [tilespmem:v12+s28+$0x0], $0xffff;
	_ =	sdelay $0x3  }
0x9a: {  	v11 =	vadd.f32 v11, v14;
	_ =	sdelay $0x1  }
0x9b: {  	v11 =	vadd.f32 v12, v11;
	_ =	sdelay $0x1  }
0x9c: {  	v11 =	vmax.f32 v11, $0.0e+00  }
0x9d: {  	v11 =	vmul.f32 v11, v9;
	_ =	sdelay $0x1  }
0x9e: {  	(xrf2) =	vadd.scan.msk.f32 $0xffff, v11;
	_ =	sdelay $0x9  }
0x9f: {  	v11, _, _ =	vpop (xrf2)  }
0xa0: {  	v11 =	vbroadcast v11, $0xF;
	_ =	sdelay $0x1  }
0xa1: {  	v11 =	vadd.f32 v11, v8;
	_ =	sdelay $0x1  }
0xa2: {  	v11 =	vsub.f32 $0.0e+00, v11;
	_ =	sdelay $0x1  }
0xa3: {  	v11 =	vmul.f32 $1.442695020e+00, v11;
	_ =	sdelay $0x1  }
0xa4: {  	(erf) = vpow2.f32 v11;
	_ =	sdelay $0x8  }
0xa5: {  	v11 =	vpop (erf)  }
0xa6: {  	v11 =	vadd.f32 $1.000000000e+00, v11;
	_ =	sdelay $0x1  }
0xa7: {  	(erf) = vrcp.f32 v11;
	_ =	sdelay $0x1  }
0xa8: {  	v11 =	vld.idx.msk [tilespmem:v13+s29+$0x0], $0xffff  }
0xa9: {  	v12 =	vld [tilespmem:s16+$0xFFFFFFC0];
	_ =	sdelay $0x4  }
0xaa: {  	v11 =	vadd.f32 v11, v12;
	v12 =	vor.u32 v1, v10  }
0xab: {  	v13 =	vpop (erf)  }
0xac: {  	v11 =	vmul.f32 v13, v11;
	_ =	sdelay $0x1  }
0xad: {  	[tilespmem:s16+$0xFFFFFFC0] =	vst v11  }
0xae: {  	v11 =	vld.idx.msk [tilespmem:v12+s29+$0x0], $0xffff  }
0xaf: {  	v12 =	vld [tilespmem:s16+$0xFFFFFFD0];
	_ =	sdelay $0x4  }
0xb0: {  	v11 =	vadd.f32 v11, v12;
	v12 =	vor.u32 v2, v10;
	_ =	sdelay $0x1  }
0xb1: {  	v11 =	vmul.f32 v13, v11;
	_ =	sdelay $0x1  }
0xb2: {  	[tilespmem:s16+$0xFFFFFFD0] =	vst v11  }
0xb3: {  	v11 =	vld.idx.msk [tilespmem:v12+s29+$0x0], $0xffff  }
0xb4: {  	v12 =	vld [tilespmem:s16+$0xFFFFFFE0];
	_ =	sdelay $0x4  }
0xb5: {  	v11 =	vadd.f32 v11, v12;
	v12 =	vor.u32 v3, v10;
	_ =	sdelay $0x1  }
0xb6: {  	v11 =	vmul.f32 v13, v11;
	_ =	sdelay $0x1  }
0xb7: {  	[tilespmem:s16+$0xFFFFFFE0] =	vst v11  }
0xb8: {  	v11 =	vld.idx.msk [tilespmem:v12+s29+$0x0], $0xffff  }
0xb9: {  	v12 =	vld [tilespmem:s16+$0xFFFFFFF0];
	_ =	sdelay $0x4  }
0xba: {  	v11 =	vadd.f32 v11, v12;
	v12 =	vor.u32 v4, v10;
	_ =	sdelay $0x1  }
0xbb: {  	v11 =	vmul.f32 v11, v13;
	_ =	sdelay $0x1  }
0xbc: {  	[tilespmem:s16+$0xFFFFFFF0] =	vst v11  }
0xbd: {  	v11 =	vld.idx.msk [tilespmem:v12+s29+$0x0], $0xffff  }
0xbe: {  	v12 =	vld [tilespmem:s16+$0x0];
	_ =	sdelay $0x4  }
0xbf: {  	v11 =	vadd.f32 v11, v12;
	v12 =	vor.u32 v5, v10;
	_ =	sdelay $0x1  }
0xc0: {  	v11 =	vmul.f32 v11, v13;
	_ =	sdelay $0x1  }
0xc1: {  	[tilespmem:s16+$0x0] =	vst v11  }
0xc2: {  	v11 =	vld.idx.msk [tilespmem:v12+s29+$0x0], $0xffff  }
0xc3: {  	v12 =	vld [tilespmem:s16+$0x10];
	_ =	sdelay $0x4  }
0xc4: {  	v11 =	vadd.f32 v11, v12;
	v12 =	vor.u32 v6, v10;
	_ =	sdelay $0x1  }
0xc5: {  	v11 =	vmul.f32 v11, v13;
	_ =	sdelay $0x1  }
0xc6: {  	[tilespmem:s16+$0x10] =	vst v11  }
0xc7: {  	v11 =	vld.idx.msk [tilespmem:v12+s29+$0x0], $0xffff  }
0xc8: {  	v12 =	vld [tilespmem:s16+$0x20];
	_ =	sdelay $0x4  }
0xc9: {  	v10 =	vor.u32 v7, v10;
	v11 =	vadd.f32 v11, v12;
	_ =	sdelay $0x1  }
0xca: {  	v11 =	vmul.f32 v11, v13;
	_ =	sdelay $0x1  }
0xcb: {  	[tilespmem:s16+$0x20] =	vst v11  }
0xcc: {  	v11 =	vld.idx.msk [tilespmem:v10+s29+$0x0], $0xffff  }
0xcd: {  	v12 =	vld [tilespmem:s16+$0x30];
	_ =	sdelay $0x2  }
.Ltmp0:
0xce: {  	(pc) =	sbr.rel @p0 .LBB2_3-.Ltmp0, $3  }
0xcf: {  	_ = 	snop  }
0xd0: {  	v10 =	vmov s13;
	v11 =	vadd.f32 v11, v12;
	_ =	sdelay $0x1  }
0xd1: {  	s20 =	smov.u32 s19;
	v11 =	vmul.f32 v11, v13  }
0xd2: {  	_ =	sdelay $0x2  }
0xd3: {  	[tilespmem:s16+$0x30] =	vst v11  }
0xd4: {  	v11 =	vld.idx.msk [tilespmem:v10+s7+$0x0], $0xffff;
	_ =	sdelay $0x1  }
0xd5: {  	v10 =	vld.idx.msk [tilespmem:v10+s4+$0x0], $0xffff;
	_ =	sdelay $0x2  }
0xd6: {  	v12 =	vshll.u32 v11, $0x4  }
0xd7: {  	v12 =	vor.u32 v0, v12  }
0xd8: {  	v10 =	vshll.u32 v10, $0x4  }
0xd9: {  	v10 =	vor.u32 v0, v10  }
0xda: {  	s13 =	sadd.s32 $0x10, s23  }
0xdb: {  	v13 =	vld [tilespmem:s13+$0x0]  }
0xdc: {  	v12 =	vld.idx.msk [tilespmem:v12+s26+$0x0], $0xffff;
	_ =	sdelay $0x1  }
0xdd: {  	v10 =	vld.idx.msk [tilespmem:v10+s28+$0x0], $0xffff;
	_ =	sdelay $0x2  }
0xde: {  	v12 =	vadd.f32 v12, v13;
	_ =	sdelay $0x1  }
0xdf: {  	v10 =	vadd.f32 v10, v12;
	_ =	sdelay $0x1  }
0xe0: {  	v10 =	vmax.f32 v10, $0.0e+00  }
0xe1: {  	v10 =	vmul.f32 v10, v9;
	_ =	sdelay $0x1  }
0xe2: {  	(xrf2) =	vadd.scan.msk.f32 $0xffff, v10;
	_ =	sdelay $0x9  }
0xe3: {  	v10, _, _ =	vpop (xrf2)  }
0xe4: {  	v10 =	vbroadcast v10, $0xF;
	_ =	sdelay $0x1  }
0xe5: {  	v10 =	vadd.f32 v10, v8;
	_ =	sdelay $0x1  }
0xe6: {  	v10 =	vsub.f32 $0.0e+00, v10;
	_ =	sdelay $0x1  }
0xe7: {  	v10 =	vmul.f32 $1.442695020e+00, v10;
	_ =	sdelay $0x1  }
0xe8: {  	(erf) = vpow2.f32 v10;
	_ =	sdelay $0x8  }
0xe9: {  	v10 =	vshll.u32 v11, $0x7;
	v49 =	vpop (erf)  }
0xea: {  	v11 =	vor.u32 v0, v10;
	v12 =	vadd.f32 $1.000000000e+00, v49;
	_ =	sdelay $0x1  }
0xeb: {  	(erf) = vrcp.f32 v12  }
0xec: {  	s23 =	sadd.s32 $0x80, s16  }
0xed: {  	v50 =	vld [tilespmem:s23+$0xFFFFFFC0]  }
0xee: {  	v11 =	vld.idx.msk [tilespmem:v11+s29+$0x0], $0xffff;
	_ =	sdelay $0x4  }
0xef: {  	v51 =	vor.u32 v1, v10;
	v11 =	vadd.f32 v11, v50  }
0xf0: {  	v52 =	vpop (erf)  }
0xf1: {  	v11 =	vmul.f32 v52, v11;
	_ =	sdelay $0x1  }
0xf2: {  	v53 =	vld [tilespmem:s23+$0xFFFFFFD0];
	[tilespmem:s23+$0xFFFFFFC0] =	vst v11  }
0xf3: {  	v11 =	vld.idx.msk [tilespmem:v51+s29+$0x0], $0xffff;
	_ =	sdelay $0x4  }
0xf4: {  	v54 =	vor.u32 v2, v10;
	v11 =	vadd.f32 v11, v53;
	_ =	sdelay $0x1  }
0xf5: {  	v11 =	vmul.f32 v52, v11;
	_ =	sdelay $0x1  }
0xf6: {  	v55 =	vld [tilespmem:s23+$0xFFFFFFE0];
	[tilespmem:s23+$0xFFFFFFD0] =	vst v11  }
0xf7: {  	v11 =	vld.idx.msk [tilespmem:v54+s29+$0x0], $0xffff;
	_ =	sdelay $0x4  }
0xf8: {  	v56 =	vor.u32 v3, v10;
	v11 =	vadd.f32 v11, v55;
	_ =	sdelay $0x1  }
0xf9: {  	v11 =	vmul.f32 v52, v11;
	_ =	sdelay $0x1  }
0xfa: {  	v57 =	vld [tilespmem:s23+$0xFFFFFFF0];
	[tilespmem:s23+$0xFFFFFFE0] =	vst v11  }
0xfb: {  	v11 =	vld.idx.msk [tilespmem:v56+s29+$0x0], $0xffff;
	_ =	sdelay $0x4  }
0xfc: {  	v58 =	vor.u32 v4, v10;
	v11 =	vadd.f32 v11, v57;
	_ =	sdelay $0x1  }
0xfd: {  	v11 =	vmul.f32 v11, v52;
	_ =	sdelay $0x1  }
0xfe: {  	v59 =	vld [tilespmem:s23+$0x0];
	[tilespmem:s23+$0xFFFFFFF0] =	vst v11  }
0xff: {  	v11 =	vld.idx.msk [tilespmem:v58+s29+$0x0], $0xffff;
	_ =	sdelay $0x4  }
0x100: {  	v60 =	vor.u32 v5, v10;
	v11 =	vadd.f32 v11, v59;
	_ =	sdelay $0x1  }
0x101: {  	v11 =	vmul.f32 v11, v52;
	_ =	sdelay $0x1  }
0x102: {  	v61 =	vld [tilespmem:s23+$0x10];
	[tilespmem:s23+$0x0] =	vst v11  }
0x103: {  	v11 =	vld.idx.msk [tilespmem:v60+s29+$0x0], $0xffff;
	_ =	sdelay $0x4  }
0x104: {  	v62 =	vor.u32 v6, v10;
	v11 =	vadd.f32 v11, v61;
	_ =	sdelay $0x1  }
0x105: {  	v11 =	vmul.f32 v11, v52;
	_ =	sdelay $0x1  }
0x106: {  	v63 =	vld [tilespmem:s23+$0x20];
	[tilespmem:s23+$0x10] =	vst v11  }
0x107: {  	v11 =	vld.idx.msk [tilespmem:v62+s29+$0x0], $0xffff;
	_ =	sdelay $0x4  }
0x108: {  	v10 =	vor.u32 v7, v10;
	v11 =	vadd.f32 v11, v63;
	_ =	sdelay $0x1  }
0x109: {  	v11 =	vmul.f32 v11, v52;
	_ =	sdelay $0x1  }
0x10a: {  	[tilespmem:s23+$0x20] =	vst v11;
	v11 =	vld [tilespmem:s23+$0x30]  }
0x10b: {  	v10 =	vld.idx.msk [tilespmem:v10+s29+$0x0], $0xffff;
	_ =	sdelay $0x4  }
0x10c: {  	v10 =	vadd.f32 v10, v11;
	_ =	sdelay $0x1  }
0x10d: {  	s22 =	sadd.s32 $0x1, s22;
	v10 =	vmul.f32 v10, v52  }
0x10e: {  	p0 =	sne.s32 s22, $0x4E  }
.Ltmp1:
0x10f: {  	[tilespmem:s23+$0x30] =	vst v10;
	(pc) =	sbr.rel @p0 .LBB2_2-.Ltmp1, $4  }
0x110: {  	[spmem:s5] =	stream.indirect.scatter.add.f32 [tilespmem:s31], [sflag:$0x2], $0x80, s3, s30, $0xb8;
	[tilespmem:$0x1C050] =	vst v63  }
0x111: {  	_ =	swait.ge [sflag:s25], $0x4000  }
0x112: {  	[sflag:s25] =	ssyncset.done $0x0  }
0x113: {  	[sflag:s25] =	ssyncadd.s32 $0xFFFFC000  }
0x114: {  	s13 =	simm.s32 $0x0;
	s16 =	rddreg [dreg:$0xb];
	s19 =	simm.s32 $0x18A00  }
0x115: {  	[tilespmem:s19], [sflag:$0x2] =	stream.linear.gather [hbm4b:s16+s13], $0x10, $0x38;
	[tilespmem:$0x1C050] =	vst v63  }
0x116: {  	_ =	swait.ge [sflag:s25], $0x10  }
0x117: {  	[sflag:s25] =	ssyncset.done $0x0  }
0x118: {  	s23 =	rddreg [dreg:$0xc];
	[sflag:s25] =	ssyncadd.s32 $0xFFFFFFF0  }
0x119: {  	[tilespmem:s14], [sflag:$0x2] =	stream.linear.gather [hbm4b:s23+s13], $0x10, $0x38;
	[tilespmem:$0x1C050] =	vst v63  }
0x11a: {  	_ =	swait.ge [sflag:s25], $0x10  }
0x11b: {  	[sflag:s25] =	ssyncset.done $0x0  }
0x11c: {  	s23 =	simm.s32 $0x18A20;
	s20 =	rddreg [dreg:$0xd];
	[sflag:s25] =	ssyncadd.s32 $0xFFFFFFF0  }
0x11d: {  	[tilespmem:s23], [sflag:$0x2] =	stream.linear.gather [hbm4b:s20+s13], $0x10, $0x38;
	[tilespmem:$0x1C050] =	vst v63  }
0x11e: {  	_ =	swait.ge [sflag:s25], $0x10  }
0x11f: {  	[sflag:s25] =	ssyncset.done $0x0  }
0x120: {  	s22 =	rddreg [dreg:$0xe];
	[sflag:s25] =	ssyncadd.s32 $0xFFFFFFF0  }
0x121: {  	[tilespmem:s18], [sflag:$0x2] =	stream.linear.gather [hbm4b:s22+s13], $0x10, $0x38;
	[tilespmem:$0x1C050] =	vst v63  }
0x122: {  	_ =	swait.ge [sflag:s25], $0x10  }
0x123: {  	[sflag:s25] =	ssyncset.done $0x0  }
0x124: {  	s16 =	simm.s32 $0x10;
	s22 =	simm.s32 $0x18A40;
	[sflag:s25] =	ssyncadd.s32 $0xFFFFFFF0  }
0x125: {  	[tilespmem:s22], [sflag:$0x1] =	stream.indirect.gather [hbm4b:s11+s16], $0x10, s19, s16, $0xb8;
	[tilespmem:$0x1C050] =	vst v63  }
0x126: {  	s20 =	simm.s32 $0x18B40  }
0x127: {  	[tilespmem:s20], [sflag:$0x1] =	stream.indirect.gather [hbm4b:s2+s16], $0x80, s19, s16, $0xb8;
	[tilespmem:$0x1C050] =	vst v63  }
0x128: {  	_ =	swait.ge [sflag:s12], $0x100  }
0x129: {  	v10 =	vmov s13;
	[sflag:s12] =	ssyncset.done $0x0  }
0x12a: {  	[sflag:s12] =	ssyncadd.s32 $0xFFFFFF00  }
0x12b: {  	_ =	swait.ge [sflag:s12], $0x800  }
0x12c: {  	[sflag:s12] =	ssyncset.done $0x0  }
0x12d: {  	[sflag:s12] =	ssyncadd.s32 $0xFFFFF800  }
0x12e: {  	v11 =	vld.idx.msk [tilespmem:v10+s14+$0x0], $0xffff;
	_ =	sdelay $0x1  }
0x12f: {  	v10 =	vld.idx.msk [tilespmem:v10+s18+$0x0], $0xffff;
	_ =	sdelay $0x2  }
0x130: {  	v12 =	vshll.u32 v11, $0x4  }
0x131: {  	v12 =	vor.u32 v0, v12  }
0x132: {  	v10 =	vshll.u32 v10, $0x4  }
0x133: {  	v10 =	vor.u32 v0, v10;
	_ =	sdelay $0x1  }
0x134: {  	v13 =	vld [tilespmem:s22+$0x0]  }
0x135: {  	v12 =	vld.idx.msk [tilespmem:v12+s26+$0x0], $0xffff;
	_ =	sdelay $0x1  }
0x136: {  	v10 =	vld.idx.msk [tilespmem:v10+s28+$0x0], $0xffff;
	_ =	sdelay $0x2  }
0x137: {  	v12 =	vadd.f32 v12, v13;
	_ =	sdelay $0x1  }
0x138: {  	v10 =	vadd.f32 v10, v12;
	_ =	sdelay $0x1  }
0x139: {  	v10 =	vmax.f32 v10, $0.0e+00  }
0x13a: {  	v10 =	vmul.f32 v10, v9;
	_ =	sdelay $0x1  }
0x13b: {  	(xrf2) =	vadd.scan.msk.f32 $0xffff, v10;
	_ =	sdelay $0x9  }
0x13c: {  	v10, _, _ =	vpop (xrf2)  }
0x13d: {  	v10 =	vbroadcast v10, $0xF;
	_ =	sdelay $0x1  }
0x13e: {  	v10 =	vadd.f32 v10, v8;
	_ =	sdelay $0x1  }
0x13f: {  	v10 =	vsub.f32 $0.0e+00, v10;
	_ =	sdelay $0x1  }
0x140: {  	v10 =	vmul.f32 $1.442695020e+00, v10;
	_ =	sdelay $0x1  }
0x141: {  	(erf) = vpow2.f32 v10;
	_ =	sdelay $0x8  }
0x142: {  	v10 =	vshll.u32 v11, $0x7;
	v49 =	vpop (erf)  }
0x143: {  	v11 =	vor.u32 v0, v10;
	v12 =	vadd.f32 $1.000000000e+00, v49;
	_ =	sdelay $0x1  }
0x144: {  	(erf) = vrcp.f32 v12  }
0x145: {  	s16 =	simm.s32 $0x18B80  }
0x146: {  	v50 =	vld [tilespmem:s16+$0xFFFFFFC0]  }
0x147: {  	v11 =	vld.idx.msk [tilespmem:v11+s29+$0x0], $0xffff;
	_ =	sdelay $0x4  }
0x148: {  	v51 =	vor.u32 v1, v10;
	v11 =	vadd.f32 v11, v50  }
0x149: {  	v52 =	vpop (erf)  }
0x14a: {  	v11 =	vmul.f32 v52, v11;
	_ =	sdelay $0x1  }
0x14b: {  	v53 =	vld [tilespmem:s16+$0xFFFFFFD0];
	[tilespmem:s16+$0xFFFFFFC0] =	vst v11  }
0x14c: {  	v11 =	vld.idx.msk [tilespmem:v51+s29+$0x0], $0xffff;
	_ =	sdelay $0x4  }
0x14d: {  	v54 =	vor.u32 v2, v10;
	v11 =	vadd.f32 v11, v53;
	_ =	sdelay $0x1  }
0x14e: {  	v11 =	vmul.f32 v52, v11;
	_ =	sdelay $0x1  }
0x14f: {  	v55 =	vld [tilespmem:s16+$0xFFFFFFE0];
	[tilespmem:s16+$0xFFFFFFD0] =	vst v11  }
0x150: {  	v11 =	vld.idx.msk [tilespmem:v54+s29+$0x0], $0xffff;
	_ =	sdelay $0x4  }
0x151: {  	v56 =	vor.u32 v3, v10;
	v11 =	vadd.f32 v11, v55;
	_ =	sdelay $0x1  }
0x152: {  	v11 =	vmul.f32 v52, v11;
	_ =	sdelay $0x1  }
0x153: {  	v57 =	vld [tilespmem:s16+$0xFFFFFFF0];
	[tilespmem:s16+$0xFFFFFFE0] =	vst v11  }
0x154: {  	v11 =	vld.idx.msk [tilespmem:v56+s29+$0x0], $0xffff;
	_ =	sdelay $0x4  }
0x155: {  	v58 =	vor.u32 v4, v10;
	v11 =	vadd.f32 v11, v57;
	_ =	sdelay $0x1  }
0x156: {  	v11 =	vmul.f32 v11, v52;
	_ =	sdelay $0x1  }
0x157: {  	v59 =	vld [tilespmem:s16+$0x0];
	[tilespmem:s16+$0xFFFFFFF0] =	vst v11  }
0x158: {  	v11 =	vld.idx.msk [tilespmem:v58+s29+$0x0], $0xffff;
	_ =	sdelay $0x4  }
0x159: {  	v60 =	vor.u32 v5, v10;
	v11 =	vadd.f32 v11, v59;
	_ =	sdelay $0x1  }
0x15a: {  	v11 =	vmul.f32 v11, v52;
	_ =	sdelay $0x1  }
0x15b: {  	v61 =	vld [tilespmem:s16+$0x10];
	[tilespmem:s16+$0x0] =	vst v11  }
0x15c: {  	v11 =	vld.idx.msk [tilespmem:v60+s29+$0x0], $0xffff;
	_ =	sdelay $0x4  }
0x15d: {  	v62 =	vor.u32 v6, v10;
	v11 =	vadd.f32 v11, v61;
	_ =	sdelay $0x1  }
0x15e: {  	v11 =	vmul.f32 v11, v52;
	_ =	sdelay $0x1  }
0x15f: {  	v63 =	vld [tilespmem:s16+$0x20];
	[tilespmem:s16+$0x10] =	vst v11  }
0x160: {  	v11 =	vld.idx.msk [tilespmem:v62+s29+$0x0], $0xffff;
	_ =	sdelay $0x4  }
0x161: {  	v10 =	vor.u32 v7, v10;
	v11 =	vadd.f32 v11, v63;
	_ =	sdelay $0x1  }
0x162: {  	v11 =	vmul.f32 v11, v52;
	_ =	sdelay $0x1  }
0x163: {  	[tilespmem:s16+$0x20] =	vst v11;
	v11 =	vld [tilespmem:s16+$0x30]  }
0x164: {  	v10 =	vld.idx.msk [tilespmem:v10+s29+$0x0], $0xffff;
	_ =	sdelay $0x3  }
0x165: {  	s20 =	simm.s32 $0x1  }
0x166: {  	v11 =	vadd.f32 v10, v11;
	v10 =	vmov s20;
	_ =	sdelay $0x1  }
0x167: {  	s19 =	simm.s32 $0x2;
	v11 =	vmul.f32 v11, v52  }
.LBB2_6:
0x168: {  	s22 =	sadd.s32 $0x10, s22  }
0x169: {  	s13 =	smov.u32 s19;
	s20 =	sadd.s32 $0x1, s19;
	[tilespmem:s16+$0x30] =	vst v11;
	s16 =	sadd.s32 $0x80, s16  }
0x16a: {  	p0 =	sne.s32 s19, $0xF;
	v11 =	vld.idx.msk [tilespmem:v10+s14+$0x0], $0xffff;
	_ =	sdelay $0x1  }
0x16b: {  	v12 =	vld.idx.msk [tilespmem:v10+s18+$0x0], $0xffff;
	_ =	sdelay $0x3  }
0x16c: {  	v13 =	vshll.u32 v11, $0x4;
	v10 =	vshll.u32 v11, $0x7  }
0x16d: {  	v11 =	vor.u32 v0, v13;
	v13 =	vor.u32 v0, v10  }
0x16e: {  	v12 =	vshll.u32 v12, $0x4  }
0x16f: {  	v12 =	vor.u32 v0, v12;
	_ =	sdelay $0x2  }
0x170: {  	v11 =	vld.idx.msk [tilespmem:v11+s26+$0x0], $0xffff  }
0x171: {  	v14 =	vld [tilespmem:s22+$0x0]  }
0x172: {  	v12 =	vld.idx.msk [tilespmem:v12+s28+$0x0], $0xffff;
	_ =	sdelay $0x3  }
0x173: {  	v11 =	vadd.f32 v11, v14;
	_ =	sdelay $0x1  }
0x174: {  	v11 =	vadd.f32 v12, v11;
	_ =	sdelay $0x1  }
0x175: {  	v11 =	vmax.f32 v11, $0.0e+00  }
0x176: {  	v11 =	vmul.f32 v11, v9;
	_ =	sdelay $0x1  }
0x177: {  	(xrf2) =	vadd.scan.msk.f32 $0xffff, v11;
	_ =	sdelay $0x9  }
0x178: {  	v11, _, _ =	vpop (xrf2)  }
0x179: {  	v11 =	vbroadcast v11, $0xF;
	_ =	sdelay $0x1  }
0x17a: {  	v11 =	vadd.f32 v11, v8;
	_ =	sdelay $0x1  }
0x17b: {  	v11 =	vsub.f32 $0.0e+00, v11;
	_ =	sdelay $0x1  }
0x17c: {  	v11 =	vmul.f32 $1.442695020e+00, v11;
	_ =	sdelay $0x1  }
0x17d: {  	(erf) = vpow2.f32 v11;
	_ =	sdelay $0x8  }
0x17e: {  	v11 =	vpop (erf)  }
0x17f: {  	v11 =	vadd.f32 $1.000000000e+00, v11;
	_ =	sdelay $0x1  }
0x180: {  	(erf) = vrcp.f32 v11;
	_ =	sdelay $0x1  }
0x181: {  	v11 =	vld.idx.msk [tilespmem:v13+s29+$0x0], $0xffff  }
0x182: {  	v12 =	vld [tilespmem:s16+$0xFFFFFFC0];
	_ =	sdelay $0x4  }
0x183: {  	v11 =	vadd.f32 v11, v12;
	v12 =	vor.u32 v1, v10  }
0x184: {  	v13 =	vpop (erf)  }
0x185: {  	v11 =	vmul.f32 v13, v11;
	_ =	sdelay $0x1  }
0x186: {  	[tilespmem:s16+$0xFFFFFFC0] =	vst v11  }
0x187: {  	v11 =	vld.idx.msk [tilespmem:v12+s29+$0x0], $0xffff  }
0x188: {  	v12 =	vld [tilespmem:s16+$0xFFFFFFD0];
	_ =	sdelay $0x4  }
0x189: {  	v11 =	vadd.f32 v11, v12;
	v12 =	vor.u32 v2, v10;
	_ =	sdelay $0x1  }
0x18a: {  	v11 =	vmul.f32 v13, v11;
	_ =	sdelay $0x1  }
0x18b: {  	[tilespmem:s16+$0xFFFFFFD0] =	vst v11  }
0x18c: {  	v11 =	vld.idx.msk [tilespmem:v12+s29+$0x0], $0xffff  }
0x18d: {  	v12 =	vld [tilespmem:s16+$0xFFFFFFE0];
	_ =	sdelay $0x4  }
0x18e: {  	v11 =	vadd.f32 v11, v12;
	v12 =	vor.u32 v3, v10;
	_ =	sdelay $0x1  }
0x18f: {  	v11 =	vmul.f32 v13, v11;
	_ =	sdelay $0x1  }
0x190: {  	[tilespmem:s16+$0xFFFFFFE0] =	vst v11  }
0x191: {  	v11 =	vld.idx.msk [tilespmem:v12+s29+$0x0], $0xffff  }
0x192: {  	v12 =	vld [tilespmem:s16+$0xFFFFFFF0];
	_ =	sdelay $0x4  }
0x193: {  	v11 =	vadd.f32 v11, v12;
	v12 =	vor.u32 v4, v10;
	_ =	sdelay $0x1  }
0x194: {  	v11 =	vmul.f32 v11, v13;
	_ =	sdelay $0x1  }
0x195: {  	[tilespmem:s16+$0xFFFFFFF0] =	vst v11  }
0x196: {  	v11 =	vld.idx.msk [tilespmem:v12+s29+$0x0], $0xffff  }
0x197: {  	v12 =	vld [tilespmem:s16+$0x0];
	_ =	sdelay $0x4  }
0x198: {  	v11 =	vadd.f32 v11, v12;
	v12 =	vor.u32 v5, v10;
	_ =	sdelay $0x1  }
0x199: {  	v11 =	vmul.f32 v11, v13;
	_ =	sdelay $0x1  }
0x19a: {  	[tilespmem:s16+$0x0] =	vst v11  }
0x19b: {  	v11 =	vld.idx.msk [tilespmem:v12+s29+$0x0], $0xffff  }
0x19c: {  	v12 =	vld [tilespmem:s16+$0x10];
	_ =	sdelay $0x4  }
0x19d: {  	v11 =	vadd.f32 v11, v12;
	v12 =	vor.u32 v6, v10;
	_ =	sdelay $0x1  }
0x19e: {  	v11 =	vmul.f32 v11, v13;
	_ =	sdelay $0x1  }
0x19f: {  	[tilespmem:s16+$0x10] =	vst v11  }
0x1a0: {  	v11 =	vld.idx.msk [tilespmem:v12+s29+$0x0], $0xffff  }
0x1a1: {  	v12 =	vld [tilespmem:s16+$0x20];
	_ =	sdelay $0x4  }
0x1a2: {  	v10 =	vor.u32 v7, v10;
	v11 =	vadd.f32 v11, v12;
	_ =	sdelay $0x1  }
0x1a3: {  	v11 =	vmul.f32 v11, v13;
	_ =	sdelay $0x1  }
0x1a4: {  	[tilespmem:s16+$0x20] =	vst v11  }
0x1a5: {  	v11 =	vld.idx.msk [tilespmem:v10+s29+$0x0], $0xffff  }
0x1a6: {  	v12 =	vld [tilespmem:s16+$0x30];
	_ =	sdelay $0x2  }
.Ltmp2:
0x1a7: {  	(pc) =	sbr.rel @p0 .LBB2_6-.Ltmp2, $3  }
0x1a8: {  	_ = 	snop  }
0x1a9: {  	v10 =	vmov s13;
	v11 =	vadd.f32 v11, v12;
	_ =	sdelay $0x1  }
0x1aa: {  	s19 =	smov.u32 s20;
	v11 =	vmul.f32 v11, v13  }
0x1ab: {  	_ =	sdelay $0x2  }
0x1ac: {  	[tilespmem:s16+$0x30] =	vst v11  }
0x1ad: {  	v11 =	vld.idx.msk [tilespmem:v10+s14+$0x0], $0xffff;
	_ =	sdelay $0x1  }
0x1ae: {  	v46 =	vld.idx.msk [tilespmem:v10+s18+$0x0], $0xffff;
	_ =	sdelay $0x2  }
0x1af: {  	v12 =	vshll.u32 v11, $0x4  }
0x1b0: {  	v12 =	vor.u32 v0, v12  }
0x1b1: {  	v10 =	vshll.u32 v46, $0x4  }
0x1b2: {  	v10 =	vor.u32 v0, v10  }
0x1b3: {  	s13 =	sadd.s32 $0x10, s22  }
0x1b4: {  	v13 =	vld [tilespmem:s13+$0x0]  }
0x1b5: {  	v12 =	vld.idx.msk [tilespmem:v12+s26+$0x0], $0xffff;
	_ =	sdelay $0x1  }
0x1b6: {  	v10 =	vld.idx.msk [tilespmem:v10+s28+$0x0], $0xffff;
	_ =	sdelay $0x2  }
0x1b7: {  	v12 =	vadd.f32 v12, v13;
	_ =	sdelay $0x1  }
0x1b8: {  	v10 =	vadd.f32 v10, v12;
	_ =	sdelay $0x1  }
0x1b9: {  	v10 =	vmax.f32 v10, $0.0e+00  }
0x1ba: {  	v9 =	vmul.f32 v10, v9;
	_ =	sdelay $0x1  }
0x1bb: {  	(xrf2) =	vadd.scan.msk.f32 $0xffff, v9;
	_ =	sdelay $0x9  }
0x1bc: {  	v9, _, _ =	vpop (xrf2)  }
0x1bd: {  	v9 =	vbroadcast v9, $0xF;
	_ =	sdelay $0x1  }
0x1be: {  	v8 =	vadd.f32 v9, v8;
	_ =	sdelay $0x1  }
0x1bf: {  	v8 =	vsub.f32 $0.0e+00, v8;
	_ =	sdelay $0x1  }
0x1c0: {  	v8 =	vmul.f32 $1.442695020e+00, v8;
	_ =	sdelay $0x1  }
0x1c1: {  	(erf) = vpow2.f32 v8;
	_ =	sdelay $0x8  }
0x1c2: {  	v8 =	vshll.u32 v11, $0x7;
	v48 =	vpop (erf)  }
0x1c3: {  	v47 =	vor.u32 v0, v8;
	v10 =	vadd.f32 $1.000000000e+00, v48;
	_ =	sdelay $0x1  }
0x1c4: {  	(erf) = vrcp.f32 v10  }
0x1c5: {  	s19 =	sadd.s32 $0x80, s16  }
0x1c6: {  	v49 =	vld [tilespmem:s19+$0xFFFFFFC0]  }
0x1c7: {  	v9 =	vld.idx.msk [tilespmem:v47+s29+$0x0], $0xffff;
	_ =	sdelay $0x4  }
0x1c8: {  	v50 =	vor.u32 v1, v8;
	v9 =	vadd.f32 v9, v49  }
0x1c9: {  	v51 =	vpop (erf)  }
0x1ca: {  	v9 =	vmul.f32 v51, v9;
	_ =	sdelay $0x1  }
0x1cb: {  	v52 =	vld [tilespmem:s19+$0xFFFFFFD0];
	[tilespmem:s19+$0xFFFFFFC0] =	vst v9  }
0x1cc: {  	v9 =	vld.idx.msk [tilespmem:v50+s29+$0x0], $0xffff;
	_ =	sdelay $0x4  }
0x1cd: {  	v53 =	vor.u32 v2, v8;
	v9 =	vadd.f32 v9, v52;
	_ =	sdelay $0x1  }
0x1ce: {  	v9 =	vmul.f32 v51, v9;
	_ =	sdelay $0x1  }
0x1cf: {  	v54 =	vld [tilespmem:s19+$0xFFFFFFE0];
	[tilespmem:s19+$0xFFFFFFD0] =	vst v9  }
0x1d0: {  	v9 =	vld.idx.msk [tilespmem:v53+s29+$0x0], $0xffff;
	_ =	sdelay $0x4  }
0x1d1: {  	v55 =	vor.u32 v3, v8;
	v9 =	vadd.f32 v9, v54;
	_ =	sdelay $0x1  }
0x1d2: {  	v9 =	vmul.f32 v51, v9;
	_ =	sdelay $0x1  }
0x1d3: {  	v56 =	vld [tilespmem:s19+$0xFFFFFFF0];
	[tilespmem:s19+$0xFFFFFFE0] =	vst v9  }
0x1d4: {  	v9 =	vld.idx.msk [tilespmem:v55+s29+$0x0], $0xffff;
	_ =	sdelay $0x4  }
0x1d5: {  	v57 =	vor.u32 v4, v8;
	v9 =	vadd.f32 v9, v56;
	_ =	sdelay $0x1  }
0x1d6: {  	v9 =	vmul.f32 v9, v51;
	_ =	sdelay $0x1  }
0x1d7: {  	v58 =	vld [tilespmem:s19+$0x0];
	[tilespmem:s19+$0xFFFFFFF0] =	vst v9  }
0x1d8: {  	v9 =	vld.idx.msk [tilespmem:v57+s29+$0x0], $0xffff;
	_ =	sdelay $0x4  }
0x1d9: {  	v59 =	vor.u32 v5, v8;
	v9 =	vadd.f32 v9, v58;
	_ =	sdelay $0x1  }
0x1da: {  	v9 =	vmul.f32 v9, v51;
	_ =	sdelay $0x1  }
0x1db: {  	v60 =	vld [tilespmem:s19+$0x10];
	[tilespmem:s19+$0x0] =	vst v9  }
0x1dc: {  	v9 =	vld.idx.msk [tilespmem:v59+s29+$0x0], $0xffff;
	_ =	sdelay $0x4  }
0x1dd: {  	v61 =	vor.u32 v6, v8;
	v9 =	vadd.f32 v9, v60;
	_ =	sdelay $0x1  }
0x1de: {  	v9 =	vmul.f32 v9, v51;
	_ =	sdelay $0x1  }
0x1df: {  	v62 =	vld [tilespmem:s19+$0x20];
	[tilespmem:s19+$0x10] =	vst v9  }
0x1e0: {  	v9 =	vld.idx.msk [tilespmem:v61+s29+$0x0], $0xffff;
	_ =	sdelay $0x4  }
0x1e1: {  	v8 =	vor.u32 v7, v8;
	v9 =	vadd.f32 v9, v62;
	_ =	sdelay $0x1  }
0x1e2: {  	v9 =	vmul.f32 v9, v51;
	_ =	sdelay $0x1  }
0x1e3: {  	v63 =	vld [tilespmem:s19+$0x30];
	[tilespmem:s19+$0x20] =	vst v9  }
0x1e4: {  	v8 =	vld.idx.msk [tilespmem:v8+s29+$0x0], $0xffff;
	_ =	sdelay $0x4  }
0x1e5: {  	v8 =	vadd.f32 v8, v63;
	_ =	sdelay $0x1  }
0x1e6: {  	v8 =	vmul.f32 v8, v51;
	_ =	sdelay $0x1  }
0x1e7: {  	s20 =	simm.s32 $0x18B40;
	[tilespmem:s19+$0x30] =	vst v8  }
0x1e8: {  	[spmem:s5] =	stream.indirect.scatter.add.f32 [tilespmem:s20], [sflag:$0x2], $0x80, s23, s24, $0xb8;
	[tilespmem:$0x1C050] =	vst v63  }
0x1e9: {  	_ =	swait.ge [sflag:s25], $0x800  }
0x1ea: {  	[sflag:s25] =	ssyncset.done $0x0  }
0x1eb: {  	[sflag:s25] =	ssyncadd.s32 $0xFFFFF800  }
0x1ec: {  	[bflag:$0x0] =	sbarrier.arrive $0xFFFF  }
0x1ed: {  	s22 =	rddreg [dreg:$0xf]  }
0x1ee: {  	s16 =	rddreg [dreg:$0x11]  }
0x1ef: {  	[hbm:s22], [sflag:s16] =	dma.local [spmem:s17], $0x2800  }
0x1f0: {  	_ =	swait.ge [sflag:s25], $0x2800  }
0x1f1: {  	s21 =	sadd.s32 $0x1, s21;
	s23 =	rddreg [dreg:$0x10]  }
0x1f2: {  	p0 =	sne.s32 s21, s23  }
.Ltmp3:
0x1f3: {  	_ = 	snop;
	(pc) =	sbr.rel @p0 .LBB2_1-.Ltmp3, $3  }
0x1f4: {  	_ =	sdelay $0x1  }
0x1f5: {  	[sflag:s25] =	ssyncset.done $0x0  }
0x1f6: {  	[sflag:s25] =	ssyncadd.s32 $0xFFFFD800  }
0x1f7: {  	_ =	sfence.sel $0x180000  }
0x1f8: {  	[bflag:$0x0] =	sbarrier.arrive $0xFFFF  }
0x1f9: {  	_ =	strace $0x90000047  }
0x1fa: {  	s0 =	stileid.u32;
	[bflag:$0x2] =	sbarrier.arrive $0xFFFF  }
0x1fb: {  	p0 =	sne.s32 s0, $0x0;
	s0 =	rddreg [dreg:$0x6]  }
0x1fc: {  	s0 =	sadd.s32 @!p0 $0x100000, s0  }
0x1fd: {  	[sflag:s0] =	ssyncadd.tile.s32 @!p0 $0x1;
	_ =	shalt  }
.Lfunc_end2:
_tile_overlayer_lowered:
.L_overlay_start_2:
0x1fe: {  	(tag) =	ssettag $0x2  }
0x1ff: {  	s0 =	rddreg [dreg:$0x0];
	s2 =	stileid.u32  }
0x200: {  	s1 =	rddreg [dreg:$0x1];
	p0 =	sne.s32 s2, $0x0  }
0x201: {  	s3 =	rddreg [dreg:$0x2];
	[bflag:$0x3] =	sbarrier.arrive $0xFFFF;
	s2 =	simm.s32 @!p0 $0x1C02  }
0x202: {  	[timem:s3], [sflag:s2] =	dma.local @!p0 [hbm:s0], s1  }
0x203: {  	s0 =	simm.s32 @!p0 $0x2  }
0x204: {  	_ =	swait.ge @!p0 [sflag:s0], s1  }
0x205: {  	s1 =	ssub.s32 @!p0 $0x0, s1;
	[sflag:s0] =	ssyncset.done @!p0 $0x0  }
0x206: {  	[sflag:s0] =	ssyncadd.s32 @!p0 s1  }
0x207: {  	[bflag:$0x3] =	sbarrier.arrive $0xFFFF  }
0x208: {  	_ =	shalt  }

</sc_bundles>
